<compile_context>
chip_gen: v7x
topology: tpu7x:2x2x1
jax: 0.10.2.dev20260603
libtpu: 0.0.44.dev20260713+nightly
codegen_flags: <defaults>
</compile_context>

<pallas_src>
import functools

import jax
import jax.numpy as jnp
from jax import lax
from jax.experimental import pallas as pl
from jax.experimental.pallas import tpu as pltpu
from jax.experimental.pallas import tpu_sc as plsc

_N = 10000
_E = 160000
_D = 256
_DH = 128
_ALPHA = 0.5

_NS = 16
_CH = 80
_PER_TILE = _E // _NS
_N_CHUNKS = _PER_TILE // _CH
_NPAD = 10240
_ROWS_PER_TILE = _NPAD // _NS


def _sc_aggregate(x0, x1, edge_index_flat, zeros):
    mesh = plsc.VectorSubcoreMesh(core_axis_name="c", subcore_axis_name="s")

    @functools.partial(
        pl.kernel,
        out_type=jax.ShapeDtypeStruct((2, 2, _NPAD, _DH), jnp.float32),
        mesh=mesh,
        scratch_types=[
            [pltpu.VMEM((_CH,), jnp.int32) for _ in range(4)],
            [pltpu.VMEM((_CH,), jnp.int32) for _ in range(4)],
            [pltpu.VMEM((_CH, _DH), jnp.float32) for _ in range(4)],
            pltpu.VMEM_SHARED((_NPAD, _DH), jnp.float32),
            [pltpu.SemaphoreType.DMA for _ in range(2)],
            [pltpu.SemaphoreType.DMA for _ in range(4)],
            [pltpu.SemaphoreType.DMA for _ in range(4)],
            [pltpu.SemaphoreType.DMA for _ in range(4)],
        ],
    )
    def agg_kernel(x0_hbm, x1_hbm, ei_hbm, z_hbm, out_hbm,
                   gidx_v, sidx_v, rows, acc, gsem, isem, ssem, gisem):
        c = lax.axis_index("c")
        s = lax.axis_index("s")
        row0 = s * _ROWS_PER_TILE
        tbase = s * _PER_TILE

        def gidx_copy(i, b):
            return pltpu.make_async_copy(
                ei_hbm.at[pl.ds(c * _E + tbase + i * _CH, _CH)],
                gidx_v[b], gisem[b])

        def sidx_copy(i, b):
            return pltpu.make_async_copy(
                ei_hbm.at[pl.ds((1 - c) * _E + tbase + i * _CH, _CH)],
                sidx_v[b], isem[b])

        def scat_desc(b):
            return pltpu.make_async_copy(rows[b], acc.at[sidx_v[b]], ssem[b])

        pltpu.sync_copy(z_hbm, acc.at[pl.ds(row0, _ROWS_PER_TILE)])

        for p, x_hbm in ((0, x0_hbm), (1, x1_hbm)):
            plsc.subcore_barrier()

            gidx_copy(0, 0).start()
            gidx_copy(0, 0).wait()
            pltpu.async_copy(x_hbm.at[gidx_v[0]], rows[0], gsem[0])
            gidx_copy(1, 1).start()
            sidx_copy(0, 0).start()

            @pl.loop(0, _N_CHUNKS // 4)
            def _(g):
                for b in range(4):
                    i = g * 4 + b
                    nxt = i + 1
                    nb = (b + 1) % 4
                    nb2 = (b + 2) % 4

                    @pl.when(i + 2 < _N_CHUNKS)
                    def _():
                        gidx_copy(i + 2, nb2).start()

                    @pl.when(nxt < _N_CHUNKS)
                    def _():
                        @pl.when(i >= 3)
                        def _():
                            scat_desc(nb).wait()
                        gidx_copy(nxt, nb).wait()
                        pltpu.async_copy(x_hbm.at[gidx_v[nb]], rows[nb],
                                         gsem[(b + 1) % 2])
                        sidx_copy(nxt, nb).start()

                    pltpu.make_async_copy(
                        x_hbm.at[gidx_v[b]], rows[b], gsem[b % 2]).wait()
                    sidx_copy(i, b).wait()
                    pltpu.async_copy(rows[b], acc.at[sidx_v[b]], ssem[b],
                                     add=True)

            last = _N_CHUNKS - 1
            pltpu.make_async_copy(
                x_hbm.at[gidx_v[0]], rows[0], gsem[0]).wait()
            sidx_copy(last, 0).wait()
            pltpu.async_copy(rows[0], acc.at[sidx_v[0]], ssem[0], add=True)
            for b in (1, 2, 3, 0):
                scat_desc(b).wait()

            plsc.subcore_barrier()
            pltpu.sync_copy(acc.at[pl.ds(row0, _ROWS_PER_TILE)],
                            out_hbm.at[c, p, pl.ds(row0, _ROWS_PER_TILE)])
            if p == 0:
                pltpu.sync_copy(z_hbm, acc.at[pl.ds(row0, _ROWS_PER_TILE)])

    return agg_kernel(x0, x1, edge_index_flat, zeros)


_BLK = 1000


def _mlp_body(x_ref, as0_ref, as1_ref, ad0_ref, ad1_ref,
              w1s, b1s, w2s, b2s, w1d, b1d, w2d, b2d, o_ref):
    xs = x_ref[...]
    hs = xs + jnp.concatenate([as0_ref[...], as1_ref[...]], axis=-1)
    hd = xs + jnp.concatenate([ad0_ref[...], ad1_ref[...]], axis=-1)
    ts = jnp.maximum(
        jnp.dot(hs, w1s[...], preferred_element_type=jnp.float32) + b1s[...], 0.0)
    ys = jnp.dot(ts, w2s[...], preferred_element_type=jnp.float32) + b2s[...]
    td = jnp.maximum(
        jnp.dot(hd, w1d[...], preferred_element_type=jnp.float32) + b1d[...], 0.0)
    yd = jnp.dot(td, w2d[...], preferred_element_type=jnp.float32) + b2d[...]
    o_ref[...] = (1.0 - _ALPHA) * ys + _ALPHA * yd


def _tc_mlp(x, aggs0, aggs1, aggd0, aggd1,
            W1s, b1s, W2s, b2s, W1d, b1d, W2d, b2d):
    half_spec = pl.BlockSpec((_BLK, _DH), lambda i: (i, 0))
    w_spec = pl.BlockSpec((_D, _D), lambda i: (0, 0))
    b_spec = pl.BlockSpec((1, _D), lambda i: (0, 0))
    return pl.pallas_call(
        _mlp_body,
        grid=(_N // _BLK,),
        in_specs=[
            pl.BlockSpec((_BLK, _D), lambda i: (i, 0)),
            half_spec, half_spec, half_spec, half_spec,
            w_spec, b_spec, w_spec, b_spec,
            w_spec, b_spec, w_spec, b_spec,
        ],
        out_specs=pl.BlockSpec((_BLK, _D), lambda i: (i, 0)),
        out_shape=jax.ShapeDtypeStruct((_N, _D), jnp.float32),
    )(x, aggs0, aggs1, aggd0, aggd1,
      W1s, b1s.reshape(1, _D), W2s, b2s.reshape(1, _D),
      W1d, b1d.reshape(1, _D), W2d, b2d.reshape(1, _D))


def kernel(x, edge_index, W1s, b1s, W2s, b2s, W1d, b1d, W2d, b2d):
    x0 = x[:, :_DH]
    x1 = x[:, _DH:]
    zeros = jnp.zeros((_ROWS_PER_TILE, _DH), jnp.float32)
    agg = _sc_aggregate(x0, x1, edge_index.reshape(-1), zeros)
    return _tc_mlp(x, agg[0, 0, :_N], agg[0, 1, :_N], agg[1, 0, :_N],
                   agg[1, 1, :_N],
                   W1s, b1s, W2s, b2s, W1d, b1d, W2d, b2d)

# --- scband reference (transcript-rebuilt; emitter-appended) ---
"""Pipeline reference for scband-dir-ginconv-74861279969846 (READ-ONLY COPY).

The authoritative reference and input builder live on the scoring server;
editing this copy changes nothing except your own understanding.
"""

import jax, jax.numpy as jnp
import numpy as np

N = 10000
E = 160000
D = 256
ALPHA = 0.5


def setup_inputs(seed: int = 0) -> dict:
    key = jax.random.key(seed)
    ks = jax.random.split(key, 12)
    x = jax.random.normal(ks[0], (N, D), dtype=jnp.float32)
    edge_index = jax.random.randint(ks[1], (2, E), 0, N, dtype=jnp.int32)
    s = 1.0 / np.sqrt(D)
    # MLP for conv_src_to_dst: Linear(D,D) -> ReLU -> Linear(D,D)
    W1s = jax.random.normal(ks[2], (D, D), dtype=jnp.float32) * s
    b1s = jnp.zeros((D,), dtype=jnp.float32)
    W2s = jax.random.normal(ks[3], (D, D), dtype=jnp.float32) * s
    b2s = jnp.zeros((D,), dtype=jnp.float32)
    # MLP for conv_dst_to_src
    W1d = jax.random.normal(ks[4], (D, D), dtype=jnp.float32) * s
    b1d = jnp.zeros((D,), dtype=jnp.float32)
    W2d = jax.random.normal(ks[5], (D, D), dtype=jnp.float32) * s
    b2d = jnp.zeros((D,), dtype=jnp.float32)
    return {"x": x, "edge_index": edge_index,
            "W1s": W1s, "b1s": b1s, "W2s": W2s, "b2s": b2s,
            "W1d": W1d, "b1d": b1d, "W2d": W2d, "b2d": b2d}


def _mlp(h, W1, b1, W2, b2):
    h = jnp.dot(h, W1) + b1
    h = jnp.maximum(h, 0.0)
    return jnp.dot(h, W2) + b2


def reference(x, edge_index, W1s, b1s, W2s, b2s, W1d, b1d, W2d, b2d):
    src = edge_index[0]
    dst = edge_index[1]
    # GINConv flow='source_to_target': aggregate x[src] at dst, eps=0 -> (1+eps)*x + sum_j x_j
    agg_s2d = jax.ops.segment_sum(jnp.take(x, src, axis=0), dst, num_segments=N)
    out_s2d = _mlp(x + agg_s2d, W1s, b1s, W2s, b2s)
    # GINConv flow='target_to_source': aggregate x[dst] at src
    agg_d2s = jax.ops.segment_sum(jnp.take(x, dst, axis=0), src, num_segments=N)
    out_d2s = _mlp(x + agg_d2s, W1d, b1d, W2d, b2d)
    return (1.0 - ALPHA) * out_s2d + ALPHA * out_d2s

if __name__ == "__main__":
    import jax
    _d = setup_inputs()
    print(jax.jit(kernel)(*tuple(_d.values())))

</pallas_src>

<mosaic_0001>
#map = affine_map<(d0, d1) -> (0, 0)>
#map1 = affine_map<(d0, d1) -> (0)>
#map2 = affine_map<(d0, d1) -> (0, 0, 0, 0)>
module attributes {stable_mosaic.version = 14 : i64} {
  func.func @agg_kernel(%arg0: i32, %arg1: i32, %arg2: memref<10000x128xf32, #tpu.memory_space<hbm>>, %arg3: memref<10000x128xf32, #tpu.memory_space<hbm>>, %arg4: memref<320000xi32, #tpu.memory_space<hbm>>, %arg5: memref<640x128xf32, #tpu.memory_space<hbm>>, %arg6: memref<2x2x10240x128xf32, #tpu.memory_space<hbm>>, %arg7: memref<80xi32, #tpu.memory_space<vmem>>, %arg8: memref<80xi32, #tpu.memory_space<vmem>>, %arg9: memref<80xi32, #tpu.memory_space<vmem>>, %arg10: memref<80xi32, #tpu.memory_space<vmem>>, %arg11: memref<80xi32, #tpu.memory_space<vmem>>, %arg12: memref<80xi32, #tpu.memory_space<vmem>>, %arg13: memref<80xi32, #tpu.memory_space<vmem>>, %arg14: memref<80xi32, #tpu.memory_space<vmem>>, %arg15: memref<80x128xf32, #tpu.memory_space<vmem>>, %arg16: memref<80x128xf32, #tpu.memory_space<vmem>>, %arg17: memref<80x128xf32, #tpu.memory_space<vmem>>, %arg18: memref<80x128xf32, #tpu.memory_space<vmem>>, %arg19: memref<10240x128xf32, #tpu.memory_space<vmem_shared>>, %arg20: memref<!tpu.dma_semaphore, #tpu.memory_space<semaphore_mem>>, %arg21: memref<!tpu.dma_semaphore, #tpu.memory_space<semaphore_mem>>, %arg22: memref<!tpu.dma_semaphore, #tpu.memory_space<semaphore_mem>>, %arg23: memref<!tpu.dma_semaphore, #tpu.memory_space<semaphore_mem>>, %arg24: memref<!tpu.dma_semaphore, #tpu.memory_space<semaphore_mem>>, %arg25: memref<!tpu.dma_semaphore, #tpu.memory_space<semaphore_mem>>, %arg26: memref<!tpu.dma_semaphore, #tpu.memory_space<semaphore_mem>>, %arg27: memref<!tpu.dma_semaphore, #tpu.memory_space<semaphore_mem>>, %arg28: memref<!tpu.dma_semaphore, #tpu.memory_space<semaphore_mem>>, %arg29: memref<!tpu.dma_semaphore, #tpu.memory_space<semaphore_mem>>, %arg30: memref<!tpu.dma_semaphore, #tpu.memory_space<semaphore_mem>>, %arg31: memref<!tpu.dma_semaphore, #tpu.memory_space<semaphore_mem>>, %arg32: memref<!tpu.dma_semaphore, #tpu.memory_space<semaphore_mem>>, %arg33: memref<!tpu.dma_semaphore, #tpu.memory_space<semaphore_mem>>) attributes {dimension_semantics = [#tpu.dimension_semantics<core_parallel>, #tpu.dimension_semantics<subcore_parallel>], iteration_bounds = array<i64: 2, 16>, scalar_prefetch = 0 : i64, scratch_operands = 27 : i64, tpu.core_type = #tpu.core_type<sc_vector_subcore>, window_params = [{transform_indices = #map}, {transform_indices = #map}, {transform_indices = #map1}, {transform_indices = #map}, {transform_indices = #map2}]} {
    %mul3A = arith.constant 640 : i32
    %mul3A_0 = arith.muli %arg1, %mul3A : i32
    %mul3A_1 = arith.constant 10000 : i32
    %mul3A_2 = arith.muli %arg1, %mul3A_1 : i32
    "tpu.region"() ({
      %run_scoped3A_132 = tpu.sem_alloc : memref<!tpu.dma_semaphore, #tpu.memory_space<semaphore_mem>>
      %dma_start3A_133 = arith.constant 0 : i32
      %dma_start3A_134 = tpu.memref_slice %arg19[%mul3A_0, %dma_start3A_133] : memref<10240x128xf32, #tpu.memory_space<vmem_shared>> -> memref<640x128xf32, #tpu.memory_space<vmem_shared>>
      tpu.enqueue_dma source(%arg5 : memref<640x128xf32, #tpu.memory_space<hbm>>) target(%dma_start3A_134 : memref<640x128xf32, #tpu.memory_space<vmem_shared>>) target_semaphore(%run_scoped3A_132 : memref<!tpu.dma_semaphore, #tpu.memory_space<semaphore_mem>>)
      %dma_wait3A_135 = arith.constant 0 : i32
      %dma_wait3A_136 = tpu.memref_slice %arg19[%mul3A_0, %dma_wait3A_135] : memref<10240x128xf32, #tpu.memory_space<vmem_shared>> -> memref<640x128xf32, #tpu.memory_space<vmem_shared>>
      tpu.wait_dma2 semaphore(%run_scoped3A_132 : memref<!tpu.dma_semaphore, #tpu.memory_space<semaphore_mem>>) src(%arg5 : memref<640x128xf32, #tpu.memory_space<hbm>>) dst(%dma_wait3A_136 : memref<640x128xf32, #tpu.memory_space<vmem_shared>>)
      tpu.yield
    }) : () -> ()
    %barrier3A = arith.constant 0 : index
    tpu.barrier barrier_id(%barrier3A)
    %mul3A_3 = arith.constant 160000 : i32
    %mul3A_4 = arith.muli %arg0, %mul3A_3 : i32
    %add3A = arith.addi %mul3A_4, %mul3A_2 : i32
    %add3A_5 = arith.constant 0 : i32
    %add3A_6 = arith.addi %add3A, %add3A_5 : i32
    %dma_start3A = tpu.memref_slice %arg4[%add3A_6] : memref<320000xi32, #tpu.memory_space<hbm>> -> memref<80xi32, #tpu.memory_space<hbm>>
    %dma_start3A_7 = tpu.memref_slice %arg4[%add3A_6] : memref<320000xi32, #tpu.memory_space<hbm>> -> memref<80xi32, #tpu.memory_space<hbm>>
    tpu.enqueue_dma source(%dma_start3A_7 : memref<80xi32, #tpu.memory_space<hbm>>) target(%arg7 : memref<80xi32, #tpu.memory_space<vmem>>) target_semaphore(%arg30 : memref<!tpu.dma_semaphore, #tpu.memory_space<semaphore_mem>>)
    %mul3A_8 = arith.constant 160000 : i32
    %mul3A_9 = arith.muli %arg0, %mul3A_8 : i32
    %add3A_10 = arith.addi %mul3A_9, %mul3A_2 : i32
    %add3A_11 = arith.constant 0 : i32
    %add3A_12 = arith.addi %add3A_10, %add3A_11 : i32
    %dma_wait3A = tpu.memref_slice %arg4[%add3A_12] : memref<320000xi32, #tpu.memory_space<hbm>> -> memref<80xi32, #tpu.memory_space<hbm>>
    %dma_wait3A_13 = tpu.memref_slice %arg4[%add3A_12] : memref<320000xi32, #tpu.memory_space<hbm>> -> memref<80xi32, #tpu.memory_space<hbm>>
    tpu.wait_dma2 semaphore(%arg30 : memref<!tpu.dma_semaphore, #tpu.memory_space<semaphore_mem>>) src(%dma_wait3A_13 : memref<80xi32, #tpu.memory_space<hbm>>) dst(%arg7 : memref<80xi32, #tpu.memory_space<vmem>>)
    %dma_start3A_14 = arith.constant 0 : i32
    %dma_start3A_15 = arith.constant 0 : i32
    %dma_start3A_16 = tpu.memref_slice %arg2[%dma_start3A_14, %dma_start3A_15] : memref<10000x128xf32, #tpu.memory_space<hbm>> -> memref<10000x128xf32, #tpu.memory_space<hbm>>
    tpu.enqueue_indirect_dma source(%dma_start3A_16 : memref<10000x128xf32, #tpu.memory_space<hbm>>) target(%arg15 : memref<80x128xf32, #tpu.memory_space<vmem>>) offsets(%arg7 : memref<80xi32, #tpu.memory_space<vmem>>) semaphore(%arg20 : memref<!tpu.dma_semaphore, #tpu.memory_space<semaphore_mem>>)
    %mul3A_17 = arith.constant 160000 : i32
    %mul3A_18 = arith.muli %arg0, %mul3A_17 : i32
    %add3A_19 = arith.addi %mul3A_18, %mul3A_2 : i32
    %add3A_20 = arith.constant 80 : i32
    %add3A_21 = arith.addi %add3A_19, %add3A_20 : i32
    %dma_start3A_22 = tpu.memref_slice %arg4[%add3A_21] : memref<320000xi32, #tpu.memory_space<hbm>> -> memref<80xi32, #tpu.memory_space<hbm>>
    %dma_start3A_23 = tpu.memref_slice %arg4[%add3A_21] : memref<320000xi32, #tpu.memory_space<hbm>> -> memref<80xi32, #tpu.memory_space<hbm>>
    tpu.enqueue_dma source(%dma_start3A_23 : memref<80xi32, #tpu.memory_space<hbm>>) target(%arg8 : memref<80xi32, #tpu.memory_space<vmem>>) target_semaphore(%arg31 : memref<!tpu.dma_semaphore, #tpu.memory_space<semaphore_mem>>)
    %sub3A = arith.constant 1 : i32
    %sub3A_24 = arith.subi %sub3A, %arg0 : i32
    %mul3A_25 = arith.constant 160000 : i32
    %mul3A_26 = arith.muli %sub3A_24, %mul3A_25 : i32
    %add3A_27 = arith.addi %mul3A_26, %mul3A_2 : i32
    %add3A_28 = arith.constant 0 : i32
    %add3A_29 = arith.addi %add3A_27, %add3A_28 : i32
    %dma_start3A_30 = tpu.memref_slice %arg4[%add3A_29] : memref<320000xi32, #tpu.memory_space<hbm>> -> memref<80xi32, #tpu.memory_space<hbm>>
    %dma_start3A_31 = tpu.memref_slice %arg4[%add3A_29] : memref<320000xi32, #tpu.memory_space<hbm>> -> memref<80xi32, #tpu.memory_space<hbm>>
    tpu.enqueue_dma source(%dma_start3A_31 : memref<80xi32, #tpu.memory_space<hbm>>) target(%arg11 : memref<80xi32, #tpu.memory_space<vmem>>) target_semaphore(%arg22 : memref<!tpu.dma_semaphore, #tpu.memory_space<semaphore_mem>>)
    %scan3A = arith.constant 0 : i32
    %scan3A_32 = arith.constant 31 : i32
    %scan3A_33 = arith.addi %scan3A, %scan3A_32 : i32
    %scan3A_34 = arith.constant 1 : i32
    scf.for %scan3A_132 = %scan3A to %scan3A_33 step %scan3A_34  : i32 {
      %mul3A_133 = arith.constant 1 : i32
      %mul3A_134 = arith.muli %scan3A_132, %mul3A_133 : i32
      %add3A_135 = arith.constant 0 : i32
      %add3A_136 = arith.addi %add3A_135, %mul3A_134 : i32
      %mul3A_137 = arith.constant 4 : i32
      %mul3A_138 = arith.muli %add3A_136, %mul3A_137 : i32
      %add3A_139 = arith.constant 0 : i32
      %add3A_140 = arith.addi %mul3A_138, %add3A_139 : i32
      %add3A_141 = arith.constant 1 : i32
      %add3A_142 = arith.addi %add3A_140, %add3A_141 : i32
      %add3A_143 = arith.constant 2 : i32
      %add3A_144 = arith.addi %add3A_140, %add3A_143 : i32
      %lt3A = arith.constant 125 : i32
      %lt3A_145 = arith.cmpi slt, %add3A_144, %lt3A : i32
      %convert_element_type3A = arith.extui %lt3A_145 : i1 to i32
      %cond3A = arith.constant 0 : i32
      %cond3A_146 = arith.cmpi ne, %convert_element_type3A, %cond3A : i32
      scf.if %cond3A_146 {
        %add3A_270 = arith.constant 2 : i32
        %add3A_271 = arith.addi %add3A_140, %add3A_270 : i32
        %mul3A_272 = arith.constant 160000 : i32
        %mul3A_273 = arith.muli %arg0, %mul3A_272 : i32
        %add3A_274 = arith.addi %mul3A_273, %mul3A_2 : i32
        %mul3A_275 = arith.constant 80 : i32
        %mul3A_276 = arith.muli %add3A_271, %mul3A_275 : i32
        %add3A_277 = arith.addi %add3A_274, %mul3A_276 : i32
        %dma_start3A_278 = tpu.memref_slice %arg4[%add3A_277] : memref<320000xi32, #tpu.memory_space<hbm>> -> memref<80xi32, #tpu.memory_space<hbm>>
        %dma_start3A_279 = tpu.memref_slice %arg4[%add3A_277] : memref<320000xi32, #tpu.memory_space<hbm>> -> memref<80xi32, #tpu.memory_space<hbm>>
        tpu.enqueue_dma source(%dma_start3A_279 : memref<80xi32, #tpu.memory_space<hbm>>) target(%arg9 : memref<80xi32, #tpu.memory_space<vmem>>) target_semaphore(%arg32 : memref<!tpu.dma_semaphore, #tpu.memory_space<semaphore_mem>>)
      } else {
      }
      %lt3A_147 = arith.constant 125 : i32
      %lt3A_148 = arith.cmpi slt, %add3A_142, %lt3A_147 : i32
      %convert_element_type3A_149 = arith.extui %lt3A_148 : i1 to i32
      %cond3A_150 = arith.constant 0 : i32
      %cond3A_151 = arith.cmpi ne, %convert_element_type3A_149, %cond3A_150 : i32
      scf.if %cond3A_151 {
        %ge3A = arith.constant 3 : i32
        %ge3A_270 = arith.cmpi sge, %add3A_140, %ge3A : i32
        %convert_element_type3A_271 = arith.extui %ge3A_270 : i1 to i32
        %cond3A_272 = arith.constant 0 : i32
        %cond3A_273 = arith.cmpi ne, %convert_element_type3A_271, %cond3A_272 : i32
        scf.if %cond3A_273 {
          %dma_wait3A_295 = arith.constant 0 : i32
          %dma_wait3A_296 = arith.constant 0 : i32
          %dma_wait3A_297 = tpu.memref_slice %arg19[%dma_wait3A_295, %dma_wait3A_296] : memref<10240x128xf32, #tpu.memory_space<vmem_shared>> -> memref<10240x128xf32, #tpu.memory_space<vmem_shared>>
          tpu.wait_indirect_dma semaphore(%arg27 : memref<!tpu.dma_semaphore, #tpu.memory_space<semaphore_mem>>) src(%arg16 : memref<80x128xf32, #tpu.memory_space<vmem>>) dst(%dma_wait3A_297 : memref<10240x128xf32, #tpu.memory_space<vmem_shared>>)
        } else {
        }
        %mul3A_274 = arith.constant 160000 : i32
        %mul3A_275 = arith.muli %arg0, %mul3A_274 : i32
        %add3A_276 = arith.addi %mul3A_275, %mul3A_2 : i32
        %mul3A_277 = arith.constant 80 : i32
        %mul3A_278 = arith.muli %add3A_142, %mul3A_277 : i32
        %add3A_279 = arith.addi %add3A_276, %mul3A_278 : i32
        %dma_wait3A_280 = tpu.memref_slice %arg4[%add3A_279] : memref<320000xi32, #tpu.memory_space<hbm>> -> memref<80xi32, #tpu.memory_space<hbm>>
        %dma_wait3A_281 = tpu.memref_slice %arg4[%add3A_279] : memref<320000xi32, #tpu.memory_space<hbm>> -> memref<80xi32, #tpu.memory_space<hbm>>
        tpu.wait_dma2 semaphore(%arg31 : memref<!tpu.dma_semaphore, #tpu.memory_space<semaphore_mem>>) src(%dma_wait3A_281 : memref<80xi32, #tpu.memory_space<hbm>>) dst(%arg8 : memref<80xi32, #tpu.memory_space<vmem>>)
        %dma_start3A_282 = arith.constant 0 : i32
        %dma_start3A_283 = arith.constant 0 : i32
        %dma_start3A_284 = tpu.memref_slice %arg2[%dma_start3A_282, %dma_start3A_283] : memref<10000x128xf32, #tpu.memory_space<hbm>> -> memref<10000x128xf32, #tpu.memory_space<hbm>>
        tpu.enqueue_indirect_dma source(%dma_start3A_284 : memref<10000x128xf32, #tpu.memory_space<hbm>>) target(%arg16 : memref<80x128xf32, #tpu.memory_space<vmem>>) offsets(%arg8 : memref<80xi32, #tpu.memory_space<vmem>>) semaphore(%arg21 : memref<!tpu.dma_semaphore, #tpu.memory_space<semaphore_mem>>)
        %sub3A_285 = arith.constant 1 : i32
        %sub3A_286 = arith.subi %sub3A_285, %arg0 : i32
        %mul3A_287 = arith.constant 160000 : i32
        %mul3A_288 = arith.muli %sub3A_286, %mul3A_287 : i32
        %add3A_289 = arith.addi %mul3A_288, %mul3A_2 : i32
        %mul3A_290 = arith.constant 80 : i32
        %mul3A_291 = arith.muli %add3A_142, %mul3A_290 : i32
        %add3A_292 = arith.addi %add3A_289, %mul3A_291 : i32
        %dma_start3A_293 = tpu.memref_slice %arg4[%add3A_292] : memref<320000xi32, #tpu.memory_space<hbm>> -> memref<80xi32, #tpu.memory_space<hbm>>
        %dma_start3A_294 = tpu.memref_slice %arg4[%add3A_292] : memref<320000xi32, #tpu.memory_space<hbm>> -> memref<80xi32, #tpu.memory_space<hbm>>
        tpu.enqueue_dma source(%dma_start3A_294 : memref<80xi32, #tpu.memory_space<hbm>>) target(%arg12 : memref<80xi32, #tpu.memory_space<vmem>>) target_semaphore(%arg23 : memref<!tpu.dma_semaphore, #tpu.memory_space<semaphore_mem>>)
      } else {
      }
      %dma_wait3A_152 = arith.constant 0 : i32
      %dma_wait3A_153 = arith.constant 0 : i32
      %dma_wait3A_154 = tpu.memref_slice %arg2[%dma_wait3A_152, %dma_wait3A_153] : memref<10000x128xf32, #tpu.memory_space<hbm>> -> memref<10000x128xf32, #tpu.memory_space<hbm>>
      tpu.wait_indirect_dma semaphore(%arg20 : memref<!tpu.dma_semaphore, #tpu.memory_space<semaphore_mem>>) src(%dma_wait3A_154 : memref<10000x128xf32, #tpu.memory_space<hbm>>) dst(%arg15 : memref<80x128xf32, #tpu.memory_space<vmem>>)
      %sub3A_155 = arith.constant 1 : i32
      %sub3A_156 = arith.subi %sub3A_155, %arg0 : i32
      %mul3A_157 = arith.constant 160000 : i32
      %mul3A_158 = arith.muli %sub3A_156, %mul3A_157 : i32
      %add3A_159 = arith.addi %mul3A_158, %mul3A_2 : i32
      %mul3A_160 = arith.constant 80 : i32
      %mul3A_161 = arith.muli %add3A_140, %mul3A_160 : i32
      %add3A_162 = arith.addi %add3A_159, %mul3A_161 : i32
      %dma_wait3A_163 = tpu.memref_slice %arg4[%add3A_162] : memref<320000xi32, #tpu.memory_space<hbm>> -> memref<80xi32, #tpu.memory_space<hbm>>
      %dma_wait3A_164 = tpu.memref_slice %arg4[%add3A_162] : memref<320000xi32, #tpu.memory_space<hbm>> -> memref<80xi32, #tpu.memory_space<hbm>>
      tpu.wait_dma2 semaphore(%arg22 : memref<!tpu.dma_semaphore, #tpu.memory_space<semaphore_mem>>) src(%dma_wait3A_164 : memref<80xi32, #tpu.memory_space<hbm>>) dst(%arg11 : memref<80xi32, #tpu.memory_space<vmem>>)
      %dma_start3A_165 = arith.constant 0 : i32
      %dma_start3A_166 = arith.constant 0 : i32
      %dma_start3A_167 = tpu.memref_slice %arg19[%dma_start3A_165, %dma_start3A_166] : memref<10240x128xf32, #tpu.memory_space<vmem_shared>> -> memref<10240x128xf32, #tpu.memory_space<vmem_shared>>
      tpu.enqueue_indirect_dma source(%arg15 : memref<80x128xf32, #tpu.memory_space<vmem>>) target(%dma_start3A_167 : memref<10240x128xf32, #tpu.memory_space<vmem_shared>>) offsets(%arg11 : memref<80xi32, #tpu.memory_space<vmem>>) semaphore(%arg26 : memref<!tpu.dma_semaphore, #tpu.memory_space<semaphore_mem>>) {add = true}
      %mul3A_168 = arith.constant 4 : i32
      %mul3A_169 = arith.muli %add3A_136, %mul3A_168 : i32
      %add3A_170 = arith.constant 1 : i32
      %add3A_171 = arith.addi %mul3A_169, %add3A_170 : i32
      %add3A_172 = arith.constant 1 : i32
      %add3A_173 = arith.addi %add3A_171, %add3A_172 : i32
      %add3A_174 = arith.constant 2 : i32
      %add3A_175 = arith.addi %add3A_171, %add3A_174 : i32
      %lt3A_176 = arith.constant 125 : i32
      %lt3A_177 = arith.cmpi slt, %add3A_175, %lt3A_176 : i32
      %convert_element_type3A_178 = arith.extui %lt3A_177 : i1 to i32
      %cond3A_179 = arith.constant 0 : i32
      %cond3A_180 = arith.cmpi ne, %convert_element_type3A_178, %cond3A_179 : i32
      scf.if %cond3A_180 {
        %add3A_270 = arith.constant 2 : i32
        %add3A_271 = arith.addi %add3A_171, %add3A_270 : i32
        %mul3A_272 = arith.constant 160000 : i32
        %mul3A_273 = arith.muli %arg0, %mul3A_272 : i32
        %add3A_274 = arith.addi %mul3A_273, %mul3A_2 : i32
        %mul3A_275 = arith.constant 80 : i32
        %mul3A_276 = arith.muli %add3A_271, %mul3A_275 : i32
        %add3A_277 = arith.addi %add3A_274, %mul3A_276 : i32
        %dma_start3A_278 = tpu.memref_slice %arg4[%add3A_277] : memref<320000xi32, #tpu.memory_space<hbm>> -> memref<80xi32, #tpu.memory_space<hbm>>
        %dma_start3A_279 = tpu.memref_slice %arg4[%add3A_277] : memref<320000xi32, #tpu.memory_space<hbm>> -> memref<80xi32, #tpu.memory_space<hbm>>
        tpu.enqueue_dma source(%dma_start3A_279 : memref<80xi32, #tpu.memory_space<hbm>>) target(%arg10 : memref<80xi32, #tpu.memory_space<vmem>>) target_semaphore(%arg33 : memref<!tpu.dma_semaphore, #tpu.memory_space<semaphore_mem>>)
      } else {
      }
      %lt3A_181 = arith.constant 125 : i32
      %lt3A_182 = arith.cmpi slt, %add3A_173, %lt3A_181 : i32
      %convert_element_type3A_183 = arith.extui %lt3A_182 : i1 to i32
      %cond3A_184 = arith.constant 0 : i32
      %cond3A_185 = arith.cmpi ne, %convert_element_type3A_183, %cond3A_184 : i32
      scf.if %cond3A_185 {
        %ge3A = arith.constant 3 : i32
        %ge3A_270 = arith.cmpi sge, %add3A_171, %ge3A : i32
        %convert_element_type3A_271 = arith.extui %ge3A_270 : i1 to i32
        %cond3A_272 = arith.constant 0 : i32
        %cond3A_273 = arith.cmpi ne, %convert_element_type3A_271, %cond3A_272 : i32
        scf.if %cond3A_273 {
          %dma_wait3A_295 = arith.constant 0 : i32
          %dma_wait3A_296 = arith.constant 0 : i32
          %dma_wait3A_297 = tpu.memref_slice %arg19[%dma_wait3A_295, %dma_wait3A_296] : memref<10240x128xf32, #tpu.memory_space<vmem_shared>> -> memref<10240x128xf32, #tpu.memory_space<vmem_shared>>
          tpu.wait_indirect_dma semaphore(%arg28 : memref<!tpu.dma_semaphore, #tpu.memory_space<semaphore_mem>>) src(%arg17 : memref<80x128xf32, #tpu.memory_space<vmem>>) dst(%dma_wait3A_297 : memref<10240x128xf32, #tpu.memory_space<vmem_shared>>)
        } else {
        }
        %mul3A_274 = arith.constant 160000 : i32
        %mul3A_275 = arith.muli %arg0, %mul3A_274 : i32
        %add3A_276 = arith.addi %mul3A_275, %mul3A_2 : i32
        %mul3A_277 = arith.constant 80 : i32
        %mul3A_278 = arith.muli %add3A_173, %mul3A_277 : i32
        %add3A_279 = arith.addi %add3A_276, %mul3A_278 : i32
        %dma_wait3A_280 = tpu.memref_slice %arg4[%add3A_279] : memref<320000xi32, #tpu.memory_space<hbm>> -> memref<80xi32, #tpu.memory_space<hbm>>
        %dma_wait3A_281 = tpu.memref_slice %arg4[%add3A_279] : memref<320000xi32, #tpu.memory_space<hbm>> -> memref<80xi32, #tpu.memory_space<hbm>>
        tpu.wait_dma2 semaphore(%arg32 : memref<!tpu.dma_semaphore, #tpu.memory_space<semaphore_mem>>) src(%dma_wait3A_281 : memref<80xi32, #tpu.memory_space<hbm>>) dst(%arg9 : memref<80xi32, #tpu.memory_space<vmem>>)
        %dma_start3A_282 = arith.constant 0 : i32
        %dma_start3A_283 = arith.constant 0 : i32
        %dma_start3A_284 = tpu.memref_slice %arg2[%dma_start3A_282, %dma_start3A_283] : memref<10000x128xf32, #tpu.memory_space<hbm>> -> memref<10000x128xf32, #tpu.memory_space<hbm>>
        tpu.enqueue_indirect_dma source(%dma_start3A_284 : memref<10000x128xf32, #tpu.memory_space<hbm>>) target(%arg17 : memref<80x128xf32, #tpu.memory_space<vmem>>) offsets(%arg9 : memref<80xi32, #tpu.memory_space<vmem>>) semaphore(%arg20 : memref<!tpu.dma_semaphore, #tpu.memory_space<semaphore_mem>>)
        %sub3A_285 = arith.constant 1 : i32
        %sub3A_286 = arith.subi %sub3A_285, %arg0 : i32
        %mul3A_287 = arith.constant 160000 : i32
        %mul3A_288 = arith.muli %sub3A_286, %mul3A_287 : i32
        %add3A_289 = arith.addi %mul3A_288, %mul3A_2 : i32
        %mul3A_290 = arith.constant 80 : i32
        %mul3A_291 = arith.muli %add3A_173, %mul3A_290 : i32
        %add3A_292 = arith.addi %add3A_289, %mul3A_291 : i32
        %dma_start3A_293 = tpu.memref_slice %arg4[%add3A_292] : memref<320000xi32, #tpu.memory_space<hbm>> -> memref<80xi32, #tpu.memory_space<hbm>>
        %dma_start3A_294 = tpu.memref_slice %arg4[%add3A_292] : memref<320000xi32, #tpu.memory_space<hbm>> -> memref<80xi32, #tpu.memory_space<hbm>>
        tpu.enqueue_dma source(%dma_start3A_294 : memref<80xi32, #tpu.memory_space<hbm>>) target(%arg13 : memref<80xi32, #tpu.memory_space<vmem>>) target_semaphore(%arg24 : memref<!tpu.dma_semaphore, #tpu.memory_space<semaphore_mem>>)
      } else {
      }
      %dma_wait3A_186 = arith.constant 0 : i32
      %dma_wait3A_187 = arith.constant 0 : i32
      %dma_wait3A_188 = tpu.memref_slice %arg2[%dma_wait3A_186, %dma_wait3A_187] : memref<10000x128xf32, #tpu.memory_space<hbm>> -> memref<10000x128xf32, #tpu.memory_space<hbm>>
      tpu.wait_indirect_dma semaphore(%arg21 : memref<!tpu.dma_semaphore, #tpu.memory_space<semaphore_mem>>) src(%dma_wait3A_188 : memref<10000x128xf32, #tpu.memory_space<hbm>>) dst(%arg16 : memref<80x128xf32, #tpu.memory_space<vmem>>)
      %sub3A_189 = arith.constant 1 : i32
      %sub3A_190 = arith.subi %sub3A_189, %arg0 : i32
      %mul3A_191 = arith.constant 160000 : i32
      %mul3A_192 = arith.muli %sub3A_190, %mul3A_191 : i32
      %add3A_193 = arith.addi %mul3A_192, %mul3A_2 : i32
      %mul3A_194 = arith.constant 80 : i32
      %mul3A_195 = arith.muli %add3A_171, %mul3A_194 : i32
      %add3A_196 = arith.addi %add3A_193, %mul3A_195 : i32
      %dma_wait3A_197 = tpu.memref_slice %arg4[%add3A_196] : memref<320000xi32, #tpu.memory_space<hbm>> -> memref<80xi32, #tpu.memory_space<hbm>>
      %dma_wait3A_198 = tpu.memref_slice %arg4[%add3A_196] : memref<320000xi32, #tpu.memory_space<hbm>> -> memref<80xi32, #tpu.memory_space<hbm>>
      tpu.wait_dma2 semaphore(%arg23 : memref<!tpu.dma_semaphore, #tpu.memory_space<semaphore_mem>>) src(%dma_wait3A_198 : memref<80xi32, #tpu.memory_space<hbm>>) dst(%arg12 : memref<80xi32, #tpu.memory_space<vmem>>)
      %dma_start3A_199 = arith.constant 0 : i32
      %dma_start3A_200 = arith.constant 0 : i32
      %dma_start3A_201 = tpu.memref_slice %arg19[%dma_start3A_199, %dma_start3A_200] : memref<10240x128xf32, #tpu.memory_space<vmem_shared>> -> memref<10240x128xf32, #tpu.memory_space<vmem_shared>>
      tpu.enqueue_indirect_dma source(%arg16 : memref<80x128xf32, #tpu.memory_space<vmem>>) target(%dma_start3A_201 : memref<10240x128xf32, #tpu.memory_space<vmem_shared>>) offsets(%arg12 : memref<80xi32, #tpu.memory_space<vmem>>) semaphore(%arg27 : memref<!tpu.dma_semaphore, #tpu.memory_space<semaphore_mem>>) {add = true}
      %mul3A_202 = arith.constant 4 : i32
      %mul3A_203 = arith.muli %add3A_136, %mul3A_202 : i32
      %add3A_204 = arith.constant 2 : i32
      %add3A_205 = arith.addi %mul3A_203, %add3A_204 : i32
      %add3A_206 = arith.constant 1 : i32
      %add3A_207 = arith.addi %add3A_205, %add3A_206 : i32
      %add3A_208 = arith.constant 2 : i32
      %add3A_209 = arith.addi %add3A_205, %add3A_208 : i32
      %lt3A_210 = arith.constant 125 : i32
      %lt3A_211 = arith.cmpi slt, %add3A_209, %lt3A_210 : i32
      %convert_element_type3A_212 = arith.extui %lt3A_211 : i1 to i32
      %cond3A_213 = arith.constant 0 : i32
      %cond3A_214 = arith.cmpi ne, %convert_element_type3A_212, %cond3A_213 : i32
      scf.if %cond3A_214 {
        %add3A_270 = arith.constant 2 : i32
        %add3A_271 = arith.addi %add3A_205, %add3A_270 : i32
        %mul3A_272 = arith.constant 160000 : i32
        %mul3A_273 = arith.muli %arg0, %mul3A_272 : i32
        %add3A_274 = arith.addi %mul3A_273, %mul3A_2 : i32
        %mul3A_275 = arith.constant 80 : i32
        %mul3A_276 = arith.muli %add3A_271, %mul3A_275 : i32
        %add3A_277 = arith.addi %add3A_274, %mul3A_276 : i32
        %dma_start3A_278 = tpu.memref_slice %arg4[%add3A_277] : memref<320000xi32, #tpu.memory_space<hbm>> -> memref<80xi32, #tpu.memory_space<hbm>>
        %dma_start3A_279 = tpu.memref_slice %arg4[%add3A_277] : memref<320000xi32, #tpu.memory_space<hbm>> -> memref<80xi32, #tpu.memory_space<hbm>>
        tpu.enqueue_dma source(%dma_start3A_279 : memref<80xi32, #tpu.memory_space<hbm>>) target(%arg7 : memref<80xi32, #tpu.memory_space<vmem>>) target_semaphore(%arg30 : memref<!tpu.dma_semaphore, #tpu.memory_space<semaphore_mem>>)
      } else {
      }
      %lt3A_215 = arith.constant 125 : i32
      %lt3A_216 = arith.cmpi slt, %add3A_207, %lt3A_215 : i32
      %convert_element_type3A_217 = arith.extui %lt3A_216 : i1 to i32
      %cond3A_218 = arith.constant 0 : i32
      %cond3A_219 = arith.cmpi ne, %convert_element_type3A_217, %cond3A_218 : i32
      scf.if %cond3A_219 {
        %ge3A = arith.constant 3 : i32
        %ge3A_270 = arith.cmpi sge, %add3A_205, %ge3A : i32
        %convert_element_type3A_271 = arith.extui %ge3A_270 : i1 to i32
        %cond3A_272 = arith.constant 0 : i32
        %cond3A_273 = arith.cmpi ne, %convert_element_type3A_271, %cond3A_272 : i32
        scf.if %cond3A_273 {
          %dma_wait3A_295 = arith.constant 0 : i32
          %dma_wait3A_296 = arith.constant 0 : i32
          %dma_wait3A_297 = tpu.memref_slice %arg19[%dma_wait3A_295, %dma_wait3A_296] : memref<10240x128xf32, #tpu.memory_space<vmem_shared>> -> memref<10240x128xf32, #tpu.memory_space<vmem_shared>>
          tpu.wait_indirect_dma semaphore(%arg29 : memref<!tpu.dma_semaphore, #tpu.memory_space<semaphore_mem>>) src(%arg18 : memref<80x128xf32, #tpu.memory_space<vmem>>) dst(%dma_wait3A_297 : memref<10240x128xf32, #tpu.memory_space<vmem_shared>>)
        } else {
        }
        %mul3A_274 = arith.constant 160000 : i32
        %mul3A_275 = arith.muli %arg0, %mul3A_274 : i32
        %add3A_276 = arith.addi %mul3A_275, %mul3A_2 : i32
        %mul3A_277 = arith.constant 80 : i32
        %mul3A_278 = arith.muli %add3A_207, %mul3A_277 : i32
        %add3A_279 = arith.addi %add3A_276, %mul3A_278 : i32
        %dma_wait3A_280 = tpu.memref_slice %arg4[%add3A_279] : memref<320000xi32, #tpu.memory_space<hbm>> -> memref<80xi32, #tpu.memory_space<hbm>>
        %dma_wait3A_281 = tpu.memref_slice %arg4[%add3A_279] : memref<320000xi32, #tpu.memory_space<hbm>> -> memref<80xi32, #tpu.memory_space<hbm>>
        tpu.wait_dma2 semaphore(%arg33 : memref<!tpu.dma_semaphore, #tpu.memory_space<semaphore_mem>>) src(%dma_wait3A_281 : memref<80xi32, #tpu.memory_space<hbm>>) dst(%arg10 : memref<80xi32, #tpu.memory_space<vmem>>)
        %dma_start3A_282 = arith.constant 0 : i32
        %dma_start3A_283 = arith.constant 0 : i32
        %dma_start3A_284 = tpu.memref_slice %arg2[%dma_start3A_282, %dma_start3A_283] : memref<10000x128xf32, #tpu.memory_space<hbm>> -> memref<10000x128xf32, #tpu.memory_space<hbm>>
        tpu.enqueue_indirect_dma source(%dma_start3A_284 : memref<10000x128xf32, #tpu.memory_space<hbm>>) target(%arg18 : memref<80x128xf32, #tpu.memory_space<vmem>>) offsets(%arg10 : memref<80xi32, #tpu.memory_space<vmem>>) semaphore(%arg21 : memref<!tpu.dma_semaphore, #tpu.memory_space<semaphore_mem>>)
        %sub3A_285 = arith.constant 1 : i32
        %sub3A_286 = arith.subi %sub3A_285, %arg0 : i32
        %mul3A_287 = arith.constant 160000 : i32
        %mul3A_288 = arith.muli %sub3A_286, %mul3A_287 : i32
        %add3A_289 = arith.addi %mul3A_288, %mul3A_2 : i32
        %mul3A_290 = arith.constant 80 : i32
        %mul3A_291 = arith.muli %add3A_207, %mul3A_290 : i32
        %add3A_292 = arith.addi %add3A_289, %mul3A_291 : i32
        %dma_start3A_293 = tpu.memref_slice %arg4[%add3A_292] : memref<320000xi32, #tpu.memory_space<hbm>> -> memref<80xi32, #tpu.memory_space<hbm>>
        %dma_start3A_294 = tpu.memref_slice %arg4[%add3A_292] : memref<320000xi32, #tpu.memory_space<hbm>> -> memref<80xi32, #tpu.memory_space<hbm>>
        tpu.enqueue_dma source(%dma_start3A_294 : memref<80xi32, #tpu.memory_space<hbm>>) target(%arg14 : memref<80xi32, #tpu.memory_space<vmem>>) target_semaphore(%arg25 : memref<!tpu.dma_semaphore, #tpu.memory_space<semaphore_mem>>)
      } else {
      }
      %dma_wait3A_220 = arith.constant 0 : i32
      %dma_wait3A_221 = arith.constant 0 : i32
      %dma_wait3A_222 = tpu.memref_slice %arg2[%dma_wait3A_220, %dma_wait3A_221] : memref<10000x128xf32, #tpu.memory_space<hbm>> -> memref<10000x128xf32, #tpu.memory_space<hbm>>
      tpu.wait_indirect_dma semaphore(%arg20 : memref<!tpu.dma_semaphore, #tpu.memory_space<semaphore_mem>>) src(%dma_wait3A_222 : memref<10000x128xf32, #tpu.memory_space<hbm>>) dst(%arg17 : memref<80x128xf32, #tpu.memory_space<vmem>>)
      %sub3A_223 = arith.constant 1 : i32
      %sub3A_224 = arith.subi %sub3A_223, %arg0 : i32
      %mul3A_225 = arith.constant 160000 : i32
      %mul3A_226 = arith.muli %sub3A_224, %mul3A_225 : i32
      %add3A_227 = arith.addi %mul3A_226, %mul3A_2 : i32
      %mul3A_228 = arith.constant 80 : i32
      %mul3A_229 = arith.muli %add3A_205, %mul3A_228 : i32
      %add3A_230 = arith.addi %add3A_227, %mul3A_229 : i32
      %dma_wait3A_231 = tpu.memref_slice %arg4[%add3A_230] : memref<320000xi32, #tpu.memory_space<hbm>> -> memref<80xi32, #tpu.memory_space<hbm>>
      %dma_wait3A_232 = tpu.memref_slice %arg4[%add3A_230] : memref<320000xi32, #tpu.memory_space<hbm>> -> memref<80xi32, #tpu.memory_space<hbm>>
      tpu.wait_dma2 semaphore(%arg24 : memref<!tpu.dma_semaphore, #tpu.memory_space<semaphore_mem>>) src(%dma_wait3A_232 : memref<80xi32, #tpu.memory_space<hbm>>) dst(%arg13 : memref<80xi32, #tpu.memory_space<vmem>>)
      %dma_start3A_233 = arith.constant 0 : i32
      %dma_start3A_234 = arith.constant 0 : i32
      %dma_start3A_235 = tpu.memref_slice %arg19[%dma_start3A_233, %dma_start3A_234] : memref<10240x128xf32, #tpu.memory_space<vmem_shared>> -> memref<10240x128xf32, #tpu.memory_space<vmem_shared>>
      tpu.enqueue_indirect_dma source(%arg17 : memref<80x128xf32, #tpu.memory_space<vmem>>) target(%dma_start3A_235 : memref<10240x128xf32, #tpu.memory_space<vmem_shared>>) offsets(%arg13 : memref<80xi32, #tpu.memory_space<vmem>>) semaphore(%arg28 : memref<!tpu.dma_semaphore, #tpu.memory_space<semaphore_mem>>) {add = true}
      %mul3A_236 = arith.constant 4 : i32
      %mul3A_237 = arith.muli %add3A_136, %mul3A_236 : i32
      %add3A_238 = arith.constant 3 : i32
      %add3A_239 = arith.addi %mul3A_237, %add3A_238 : i32
      %add3A_240 = arith.constant 1 : i32
      %add3A_241 = arith.addi %add3A_239, %add3A_240 : i32
      %add3A_242 = arith.constant 2 : i32
      %add3A_243 = arith.addi %add3A_239, %add3A_242 : i32
      %lt3A_244 = arith.constant 125 : i32
      %lt3A_245 = arith.cmpi slt, %add3A_243, %lt3A_244 : i32
      %convert_element_type3A_246 = arith.extui %lt3A_245 : i1 to i32
      %cond3A_247 = arith.constant 0 : i32
      %cond3A_248 = arith.cmpi ne, %convert_element_type3A_246, %cond3A_247 : i32
      scf.if %cond3A_248 {
        %add3A_270 = arith.constant 2 : i32
        %add3A_271 = arith.addi %add3A_239, %add3A_270 : i32
        %mul3A_272 = arith.constant 160000 : i32
        %mul3A_273 = arith.muli %arg0, %mul3A_272 : i32
        %add3A_274 = arith.addi %mul3A_273, %mul3A_2 : i32
        %mul3A_275 = arith.constant 80 : i32
        %mul3A_276 = arith.muli %add3A_271, %mul3A_275 : i32
        %add3A_277 = arith.addi %add3A_274, %mul3A_276 : i32
        %dma_start3A_278 = tpu.memref_slice %arg4[%add3A_277] : memref<320000xi32, #tpu.memory_space<hbm>> -> memref<80xi32, #tpu.memory_space<hbm>>
        %dma_start3A_279 = tpu.memref_slice %arg4[%add3A_277] : memref<320000xi32, #tpu.memory_space<hbm>> -> memref<80xi32, #tpu.memory_space<hbm>>
        tpu.enqueue_dma source(%dma_start3A_279 : memref<80xi32, #tpu.memory_space<hbm>>) target(%arg8 : memref<80xi32, #tpu.memory_space<vmem>>) target_semaphore(%arg31 : memref<!tpu.dma_semaphore, #tpu.memory_space<semaphore_mem>>)
      } else {
      }
      %lt3A_249 = arith.constant 125 : i32
      %lt3A_250 = arith.cmpi slt, %add3A_241, %lt3A_249 : i32
      %convert_element_type3A_251 = arith.extui %lt3A_250 : i1 to i32
      %cond3A_252 = arith.constant 0 : i32
      %cond3A_253 = arith.cmpi ne, %convert_element_type3A_251, %cond3A_252 : i32
      scf.if %cond3A_253 {
        %ge3A = arith.constant 3 : i32
        %ge3A_270 = arith.cmpi sge, %add3A_239, %ge3A : i32
        %convert_element_type3A_271 = arith.extui %ge3A_270 : i1 to i32
        %cond3A_272 = arith.constant 0 : i32
        %cond3A_273 = arith.cmpi ne, %convert_element_type3A_271, %cond3A_272 : i32
        scf.if %cond3A_273 {
          %dma_wait3A_295 = arith.constant 0 : i32
          %dma_wait3A_296 = arith.constant 0 : i32
          %dma_wait3A_297 = tpu.memref_slice %arg19[%dma_wait3A_295, %dma_wait3A_296] : memref<10240x128xf32, #tpu.memory_space<vmem_shared>> -> memref<10240x128xf32, #tpu.memory_space<vmem_shared>>
          tpu.wait_indirect_dma semaphore(%arg26 : memref<!tpu.dma_semaphore, #tpu.memory_space<semaphore_mem>>) src(%arg15 : memref<80x128xf32, #tpu.memory_space<vmem>>) dst(%dma_wait3A_297 : memref<10240x128xf32, #tpu.memory_space<vmem_shared>>)
        } else {
        }
        %mul3A_274 = arith.constant 160000 : i32
        %mul3A_275 = arith.muli %arg0, %mul3A_274 : i32
        %add3A_276 = arith.addi %mul3A_275, %mul3A_2 : i32
        %mul3A_277 = arith.constant 80 : i32
        %mul3A_278 = arith.muli %add3A_241, %mul3A_277 : i32
        %add3A_279 = arith.addi %add3A_276, %mul3A_278 : i32
        %dma_wait3A_280 = tpu.memref_slice %arg4[%add3A_279] : memref<320000xi32, #tpu.memory_space<hbm>> -> memref<80xi32, #tpu.memory_space<hbm>>
        %dma_wait3A_281 = tpu.memref_slice %arg4[%add3A_279] : memref<320000xi32, #tpu.memory_space<hbm>> -> memref<80xi32, #tpu.memory_space<hbm>>
        tpu.wait_dma2 semaphore(%arg30 : memref<!tpu.dma_semaphore, #tpu.memory_space<semaphore_mem>>) src(%dma_wait3A_281 : memref<80xi32, #tpu.memory_space<hbm>>) dst(%arg7 : memref<80xi32, #tpu.memory_space<vmem>>)
        %dma_start3A_282 = arith.constant 0 : i32
        %dma_start3A_283 = arith.constant 0 : i32
        %dma_start3A_284 = tpu.memref_slice %arg2[%dma_start3A_282, %dma_start3A_283] : memref<10000x128xf32, #tpu.memory_space<hbm>> -> memref<10000x128xf32, #tpu.memory_space<hbm>>
        tpu.enqueue_indirect_dma source(%dma_start3A_284 : memref<10000x128xf32, #tpu.memory_space<hbm>>) target(%arg15 : memref<80x128xf32, #tpu.memory_space<vmem>>) offsets(%arg7 : memref<80xi32, #tpu.memory_space<vmem>>) semaphore(%arg20 : memref<!tpu.dma_semaphore, #tpu.memory_space<semaphore_mem>>)
        %sub3A_285 = arith.constant 1 : i32
        %sub3A_286 = arith.subi %sub3A_285, %arg0 : i32
        %mul3A_287 = arith.constant 160000 : i32
        %mul3A_288 = arith.muli %sub3A_286, %mul3A_287 : i32
        %add3A_289 = arith.addi %mul3A_288, %mul3A_2 : i32
        %mul3A_290 = arith.constant 80 : i32
        %mul3A_291 = arith.muli %add3A_241, %mul3A_290 : i32
        %add3A_292 = arith.addi %add3A_289, %mul3A_291 : i32
        %dma_start3A_293 = tpu.memref_slice %arg4[%add3A_292] : memref<320000xi32, #tpu.memory_space<hbm>> -> memref<80xi32, #tpu.memory_space<hbm>>
        %dma_start3A_294 = tpu.memref_slice %arg4[%add3A_292] : memref<320000xi32, #tpu.memory_space<hbm>> -> memref<80xi32, #tpu.memory_space<hbm>>
        tpu.enqueue_dma source(%dma_start3A_294 : memref<80xi32, #tpu.memory_space<hbm>>) target(%arg11 : memref<80xi32, #tpu.memory_space<vmem>>) target_semaphore(%arg22 : memref<!tpu.dma_semaphore, #tpu.memory_space<semaphore_mem>>)
      } else {
      }
      %dma_wait3A_254 = arith.constant 0 : i32
      %dma_wait3A_255 = arith.constant 0 : i32
      %dma_wait3A_256 = tpu.memref_slice %arg2[%dma_wait3A_254, %dma_wait3A_255] : memref<10000x128xf32, #tpu.memory_space<hbm>> -> memref<10000x128xf32, #tpu.memory_space<hbm>>
      tpu.wait_indirect_dma semaphore(%arg21 : memref<!tpu.dma_semaphore, #tpu.memory_space<semaphore_mem>>) src(%dma_wait3A_256 : memref<10000x128xf32, #tpu.memory_space<hbm>>) dst(%arg18 : memref<80x128xf32, #tpu.memory_space<vmem>>)
      %sub3A_257 = arith.constant 1 : i32
      %sub3A_258 = arith.subi %sub3A_257, %arg0 : i32
      %mul3A_259 = arith.constant 160000 : i32
      %mul3A_260 = arith.muli %sub3A_258, %mul3A_259 : i32
      %add3A_261 = arith.addi %mul3A_260, %mul3A_2 : i32
      %mul3A_262 = arith.constant 80 : i32
      %mul3A_263 = arith.muli %add3A_239, %mul3A_262 : i32
      %add3A_264 = arith.addi %add3A_261, %mul3A_263 : i32
      %dma_wait3A_265 = tpu.memref_slice %arg4[%add3A_264] : memref<320000xi32, #tpu.memory_space<hbm>> -> memref<80xi32, #tpu.memory_space<hbm>>
      %dma_wait3A_266 = tpu.memref_slice %arg4[%add3A_264] : memref<320000xi32, #tpu.memory_space<hbm>> -> memref<80xi32, #tpu.memory_space<hbm>>
      tpu.wait_dma2 semaphore(%arg25 : memref<!tpu.dma_semaphore, #tpu.memory_space<semaphore_mem>>) src(%dma_wait3A_266 : memref<80xi32, #tpu.memory_space<hbm>>) dst(%arg14 : memref<80xi32, #tpu.memory_space<vmem>>)
      %dma_start3A_267 = arith.constant 0 : i32
      %dma_start3A_268 = arith.constant 0 : i32
      %dma_start3A_269 = tpu.memref_slice %arg19[%dma_start3A_267, %dma_start3A_268] : memref<10240x128xf32, #tpu.memory_space<vmem_shared>> -> memref<10240x128xf32, #tpu.memory_space<vmem_shared>>
      tpu.enqueue_indirect_dma source(%arg18 : memref<80x128xf32, #tpu.memory_space<vmem>>) target(%dma_start3A_269 : memref<10240x128xf32, #tpu.memory_space<vmem_shared>>) offsets(%arg14 : memref<80xi32, #tpu.memory_space<vmem>>) semaphore(%arg29 : memref<!tpu.dma_semaphore, #tpu.memory_space<semaphore_mem>>) {add = true}
    }
    %scan3A_35 = arith.constant 31 : i32
    %dma_wait3A_36 = arith.constant 0 : i32
    %dma_wait3A_37 = arith.constant 0 : i32
    %dma_wait3A_38 = tpu.memref_slice %arg2[%dma_wait3A_36, %dma_wait3A_37] : memref<10000x128xf32, #tpu.memory_space<hbm>> -> memref<10000x128xf32, #tpu.memory_space<hbm>>
    tpu.wait_indirect_dma semaphore(%arg20 : memref<!tpu.dma_semaphore, #tpu.memory_space<semaphore_mem>>) src(%dma_wait3A_38 : memref<10000x128xf32, #tpu.memory_space<hbm>>) dst(%arg15 : memref<80x128xf32, #tpu.memory_space<vmem>>)
    %sub3A_39 = arith.constant 1 : i32
    %sub3A_40 = arith.subi %sub3A_39, %arg0 : i32
    %mul3A_41 = arith.constant 160000 : i32
    %mul3A_42 = arith.muli %sub3A_40, %mul3A_41 : i32
    %add3A_43 = arith.addi %mul3A_42, %mul3A_2 : i32
    %add3A_44 = arith.constant 9920 : i32
    %add3A_45 = arith.addi %add3A_43, %add3A_44 : i32
    %dma_wait3A_46 = tpu.memref_slice %arg4[%add3A_45] : memref<320000xi32, #tpu.memory_space<hbm>> -> memref<80xi32, #tpu.memory_space<hbm>>
    %dma_wait3A_47 = tpu.memref_slice %arg4[%add3A_45] : memref<320000xi32, #tpu.memory_space<hbm>> -> memref<80xi32, #tpu.memory_space<hbm>>
    tpu.wait_dma2 semaphore(%arg22 : memref<!tpu.dma_semaphore, #tpu.memory_space<semaphore_mem>>) src(%dma_wait3A_47 : memref<80xi32, #tpu.memory_space<hbm>>) dst(%arg11 : memref<80xi32, #tpu.memory_space<vmem>>)
    %dma_start3A_48 = arith.constant 0 : i32
    %dma_start3A_49 = arith.constant 0 : i32
    %dma_start3A_50 = tpu.memref_slice %arg19[%dma_start3A_48, %dma_start3A_49] : memref<10240x128xf32, #tpu.memory_space<vmem_shared>> -> memref<10240x128xf32, #tpu.memory_space<vmem_shared>>
    tpu.enqueue_indirect_dma source(%arg15 : memref<80x128xf32, #tpu.memory_space<vmem>>) target(%dma_start3A_50 : memref<10240x128xf32, #tpu.memory_space<vmem_shared>>) offsets(%arg11 : memref<80xi32, #tpu.memory_space<vmem>>) semaphore(%arg26 : memref<!tpu.dma_semaphore, #tpu.memory_space<semaphore_mem>>) {add = true}
    %dma_wait3A_51 = arith.constant 0 : i32
    %dma_wait3A_52 = arith.constant 0 : i32
    %dma_wait3A_53 = tpu.memref_slice %arg19[%dma_wait3A_51, %dma_wait3A_52] : memref<10240x128xf32, #tpu.memory_space<vmem_shared>> -> memref<10240x128xf32, #tpu.memory_space<vmem_shared>>
    tpu.wait_indirect_dma semaphore(%arg27 : memref<!tpu.dma_semaphore, #tpu.memory_space<semaphore_mem>>) src(%arg16 : memref<80x128xf32, #tpu.memory_space<vmem>>) dst(%dma_wait3A_53 : memref<10240x128xf32, #tpu.memory_space<vmem_shared>>)
    %dma_wait3A_54 = arith.constant 0 : i32
    %dma_wait3A_55 = arith.constant 0 : i32
    %dma_wait3A_56 = tpu.memref_slice %arg19[%dma_wait3A_54, %dma_wait3A_55] : memref<10240x128xf32, #tpu.memory_space<vmem_shared>> -> memref<10240x128xf32, #tpu.memory_space<vmem_shared>>
    tpu.wait_indirect_dma semaphore(%arg28 : memref<!tpu.dma_semaphore, #tpu.memory_space<semaphore_mem>>) src(%arg17 : memref<80x128xf32, #tpu.memory_space<vmem>>) dst(%dma_wait3A_56 : memref<10240x128xf32, #tpu.memory_space<vmem_shared>>)
    %dma_wait3A_57 = arith.constant 0 : i32
    %dma_wait3A_58 = arith.constant 0 : i32
    %dma_wait3A_59 = tpu.memref_slice %arg19[%dma_wait3A_57, %dma_wait3A_58] : memref<10240x128xf32, #tpu.memory_space<vmem_shared>> -> memref<10240x128xf32, #tpu.memory_space<vmem_shared>>
    tpu.wait_indirect_dma semaphore(%arg29 : memref<!tpu.dma_semaphore, #tpu.memory_space<semaphore_mem>>) src(%arg18 : memref<80x128xf32, #tpu.memory_space<vmem>>) dst(%dma_wait3A_59 : memref<10240x128xf32, #tpu.memory_space<vmem_shared>>)
    %dma_wait3A_60 = arith.constant 0 : i32
    %dma_wait3A_61 = arith.constant 0 : i32
    %dma_wait3A_62 = tpu.memref_slice %arg19[%dma_wait3A_60, %dma_wait3A_61] : memref<10240x128xf32, #tpu.memory_space<vmem_shared>> -> memref<10240x128xf32, #tpu.memory_space<vmem_shared>>
    tpu.wait_indirect_dma semaphore(%arg26 : memref<!tpu.dma_semaphore, #tpu.memory_space<semaphore_mem>>) src(%arg15 : memref<80x128xf32, #tpu.memory_space<vmem>>) dst(%dma_wait3A_62 : memref<10240x128xf32, #tpu.memory_space<vmem_shared>>)
    %barrier3A_63 = arith.constant 0 : index
    tpu.barrier barrier_id(%barrier3A_63)
    %run_scoped3A = arith.constant 0 : i32
    "tpu.region"() ({
      %run_scoped3A_132 = tpu.sem_alloc : memref<!tpu.dma_semaphore, #tpu.memory_space<semaphore_mem>>
      %dma_start3A_133 = arith.constant 0 : i32
      %dma_start3A_134 = tpu.memref_slice %arg6[%arg0, %run_scoped3A, %mul3A_0, %dma_start3A_133] : memref<2x2x10240x128xf32, #tpu.memory_space<hbm>> -> memref<1x1x640x128xf32, #tpu.memory_space<hbm>>
      %dma_start3A_135 = tpu.memref_squeeze %dma_start3A_134 : memref<1x1x640x128xf32, #tpu.memory_space<hbm>> -> memref<640x128xf32, #tpu.memory_space<hbm>>
      %dma_start3A_136 = arith.constant 0 : i32
      %dma_start3A_137 = tpu.memref_slice %arg19[%mul3A_0, %dma_start3A_136] : memref<10240x128xf32, #tpu.memory_space<vmem_shared>> -> memref<640x128xf32, #tpu.memory_space<vmem_shared>>
      tpu.enqueue_dma source(%dma_start3A_137 : memref<640x128xf32, #tpu.memory_space<vmem_shared>>) target(%dma_start3A_135 : memref<640x128xf32, #tpu.memory_space<hbm>>) target_semaphore(%run_scoped3A_132 : memref<!tpu.dma_semaphore, #tpu.memory_space<semaphore_mem>>)
      %dma_wait3A_138 = arith.constant 0 : i32
      %dma_wait3A_139 = tpu.memref_slice %arg6[%arg0, %run_scoped3A, %mul3A_0, %dma_wait3A_138] : memref<2x2x10240x128xf32, #tpu.memory_space<hbm>> -> memref<1x1x640x128xf32, #tpu.memory_space<hbm>>
      %dma_wait3A_140 = tpu.memref_squeeze %dma_wait3A_139 : memref<1x1x640x128xf32, #tpu.memory_space<hbm>> -> memref<640x128xf32, #tpu.memory_space<hbm>>
      %dma_wait3A_141 = arith.constant 0 : i32
      %dma_wait3A_142 = tpu.memref_slice %arg19[%mul3A_0, %dma_wait3A_141] : memref<10240x128xf32, #tpu.memory_space<vmem_shared>> -> memref<640x128xf32, #tpu.memory_space<vmem_shared>>
      tpu.wait_dma2 semaphore(%run_scoped3A_132 : memref<!tpu.dma_semaphore, #tpu.memory_space<semaphore_mem>>) src(%dma_wait3A_142 : memref<640x128xf32, #tpu.memory_space<vmem_shared>>) dst(%dma_wait3A_140 : memref<640x128xf32, #tpu.memory_space<hbm>>)
      tpu.yield
    }) : () -> ()
    "tpu.region"() ({
      %run_scoped3A_132 = tpu.sem_alloc : memref<!tpu.dma_semaphore, #tpu.memory_space<semaphore_mem>>
      %dma_start3A_133 = arith.constant 0 : i32
      %dma_start3A_134 = tpu.memref_slice %arg19[%mul3A_0, %dma_start3A_133] : memref<10240x128xf32, #tpu.memory_space<vmem_shared>> -> memref<640x128xf32, #tpu.memory_space<vmem_shared>>
      tpu.enqueue_dma source(%arg5 : memref<640x128xf32, #tpu.memory_space<hbm>>) target(%dma_start3A_134 : memref<640x128xf32, #tpu.memory_space<vmem_shared>>) target_semaphore(%run_scoped3A_132 : memref<!tpu.dma_semaphore, #tpu.memory_space<semaphore_mem>>)
      %dma_wait3A_135 = arith.constant 0 : i32
      %dma_wait3A_136 = tpu.memref_slice %arg19[%mul3A_0, %dma_wait3A_135] : memref<10240x128xf32, #tpu.memory_space<vmem_shared>> -> memref<640x128xf32, #tpu.memory_space<vmem_shared>>
      tpu.wait_dma2 semaphore(%run_scoped3A_132 : memref<!tpu.dma_semaphore, #tpu.memory_space<semaphore_mem>>) src(%arg5 : memref<640x128xf32, #tpu.memory_space<hbm>>) dst(%dma_wait3A_136 : memref<640x128xf32, #tpu.memory_space<vmem_shared>>)
      tpu.yield
    }) : () -> ()
    %barrier3A_64 = arith.constant 0 : index
    tpu.barrier barrier_id(%barrier3A_64)
    %mul3A_65 = arith.constant 160000 : i32
    %mul3A_66 = arith.muli %arg0, %mul3A_65 : i32
    %add3A_67 = arith.addi %mul3A_66, %mul3A_2 : i32
    %add3A_68 = arith.constant 0 : i32
    %add3A_69 = arith.addi %add3A_67, %add3A_68 : i32
    %dma_start3A_70 = tpu.memref_slice %arg4[%add3A_69] : memref<320000xi32, #tpu.memory_space<hbm>> -> memref<80xi32, #tpu.memory_space<hbm>>
    %dma_start3A_71 = tpu.memref_slice %arg4[%add3A_69] : memref<320000xi32, #tpu.memory_space<hbm>> -> memref<80xi32, #tpu.memory_space<hbm>>
    tpu.enqueue_dma source(%dma_start3A_71 : memref<80xi32, #tpu.memory_space<hbm>>) target(%arg7 : memref<80xi32, #tpu.memory_space<vmem>>) target_semaphore(%arg30 : memref<!tpu.dma_semaphore, #tpu.memory_space<semaphore_mem>>)
    %mul3A_72 = arith.constant 160000 : i32
    %mul3A_73 = arith.muli %arg0, %mul3A_72 : i32
    %add3A_74 = arith.addi %mul3A_73, %mul3A_2 : i32
    %add3A_75 = arith.constant 0 : i32
    %add3A_76 = arith.addi %add3A_74, %add3A_75 : i32
    %dma_wait3A_77 = tpu.memref_slice %arg4[%add3A_76] : memref<320000xi32, #tpu.memory_space<hbm>> -> memref<80xi32, #tpu.memory_space<hbm>>
    %dma_wait3A_78 = tpu.memref_slice %arg4[%add3A_76] : memref<320000xi32, #tpu.memory_space<hbm>> -> memref<80xi32, #tpu.memory_space<hbm>>
    tpu.wait_dma2 semaphore(%arg30 : memref<!tpu.dma_semaphore, #tpu.memory_space<semaphore_mem>>) src(%dma_wait3A_78 : memref<80xi32, #tpu.memory_space<hbm>>) dst(%arg7 : memref<80xi32, #tpu.memory_space<vmem>>)
    %dma_start3A_79 = arith.constant 0 : i32
    %dma_start3A_80 = arith.constant 0 : i32
    %dma_start3A_81 = tpu.memref_slice %arg3[%dma_start3A_79, %dma_start3A_80] : memref<10000x128xf32, #tpu.memory_space<hbm>> -> memref<10000x128xf32, #tpu.memory_space<hbm>>
    tpu.enqueue_indirect_dma source(%dma_start3A_81 : memref<10000x128xf32, #tpu.memory_space<hbm>>) target(%arg15 : memref<80x128xf32, #tpu.memory_space<vmem>>) offsets(%arg7 : memref<80xi32, #tpu.memory_space<vmem>>) semaphore(%arg20 : memref<!tpu.dma_semaphore, #tpu.memory_space<semaphore_mem>>)
    %mul3A_82 = arith.constant 160000 : i32
    %mul3A_83 = arith.muli %arg0, %mul3A_82 : i32
    %add3A_84 = arith.addi %mul3A_83, %mul3A_2 : i32
    %add3A_85 = arith.constant 80 : i32
    %add3A_86 = arith.addi %add3A_84, %add3A_85 : i32
    %dma_start3A_87 = tpu.memref_slice %arg4[%add3A_86] : memref<320000xi32, #tpu.memory_space<hbm>> -> memref<80xi32, #tpu.memory_space<hbm>>
    %dma_start3A_88 = tpu.memref_slice %arg4[%add3A_86] : memref<320000xi32, #tpu.memory_space<hbm>> -> memref<80xi32, #tpu.memory_space<hbm>>
    tpu.enqueue_dma source(%dma_start3A_88 : memref<80xi32, #tpu.memory_space<hbm>>) target(%arg8 : memref<80xi32, #tpu.memory_space<vmem>>) target_semaphore(%arg31 : memref<!tpu.dma_semaphore, #tpu.memory_space<semaphore_mem>>)
    %sub3A_89 = arith.constant 1 : i32
    %sub3A_90 = arith.subi %sub3A_89, %arg0 : i32
    %mul3A_91 = arith.constant 160000 : i32
    %mul3A_92 = arith.muli %sub3A_90, %mul3A_91 : i32
    %add3A_93 = arith.addi %mul3A_92, %mul3A_2 : i32
    %add3A_94 = arith.constant 0 : i32
    %add3A_95 = arith.addi %add3A_93, %add3A_94 : i32
    %dma_start3A_96 = tpu.memref_slice %arg4[%add3A_95] : memref<320000xi32, #tpu.memory_space<hbm>> -> memref<80xi32, #tpu.memory_space<hbm>>
    %dma_start3A_97 = tpu.memref_slice %arg4[%add3A_95] : memref<320000xi32, #tpu.memory_space<hbm>> -> memref<80xi32, #tpu.memory_space<hbm>>
    tpu.enqueue_dma source(%dma_start3A_97 : memref<80xi32, #tpu.memory_space<hbm>>) target(%arg11 : memref<80xi32, #tpu.memory_space<vmem>>) target_semaphore(%arg22 : memref<!tpu.dma_semaphore, #tpu.memory_space<semaphore_mem>>)
    %scan3A_98 = arith.constant 0 : i32
    %scan3A_99 = arith.constant 31 : i32
    %scan3A_100 = arith.addi %scan3A_98, %scan3A_99 : i32
    %scan3A_101 = arith.constant 1 : i32
    scf.for %scan3A_132 = %scan3A_98 to %scan3A_100 step %scan3A_101  : i32 {
      %mul3A_133 = arith.constant 1 : i32
      %mul3A_134 = arith.muli %scan3A_132, %mul3A_133 : i32
      %add3A_135 = arith.constant 0 : i32
      %add3A_136 = arith.addi %add3A_135, %mul3A_134 : i32
      %mul3A_137 = arith.constant 4 : i32
      %mul3A_138 = arith.muli %add3A_136, %mul3A_137 : i32
      %add3A_139 = arith.constant 0 : i32
      %add3A_140 = arith.addi %mul3A_138, %add3A_139 : i32
      %add3A_141 = arith.constant 1 : i32
      %add3A_142 = arith.addi %add3A_140, %add3A_141 : i32
      %add3A_143 = arith.constant 2 : i32
      %add3A_144 = arith.addi %add3A_140, %add3A_143 : i32
      %lt3A = arith.constant 125 : i32
      %lt3A_145 = arith.cmpi slt, %add3A_144, %lt3A : i32
      %convert_element_type3A = arith.extui %lt3A_145 : i1 to i32
      %cond3A = arith.constant 0 : i32
      %cond3A_146 = arith.cmpi ne, %convert_element_type3A, %cond3A : i32
      scf.if %cond3A_146 {
        %add3A_270 = arith.constant 2 : i32
        %add3A_271 = arith.addi %add3A_140, %add3A_270 : i32
        %mul3A_272 = arith.constant 160000 : i32
        %mul3A_273 = arith.muli %arg0, %mul3A_272 : i32
        %add3A_274 = arith.addi %mul3A_273, %mul3A_2 : i32
        %mul3A_275 = arith.constant 80 : i32
        %mul3A_276 = arith.muli %add3A_271, %mul3A_275 : i32
        %add3A_277 = arith.addi %add3A_274, %mul3A_276 : i32
        %dma_start3A_278 = tpu.memref_slice %arg4[%add3A_277] : memref<320000xi32, #tpu.memory_space<hbm>> -> memref<80xi32, #tpu.memory_space<hbm>>
        %dma_start3A_279 = tpu.memref_slice %arg4[%add3A_277] : memref<320000xi32, #tpu.memory_space<hbm>> -> memref<80xi32, #tpu.memory_space<hbm>>
        tpu.enqueue_dma source(%dma_start3A_279 : memref<80xi32, #tpu.memory_space<hbm>>) target(%arg9 : memref<80xi32, #tpu.memory_space<vmem>>) target_semaphore(%arg32 : memref<!tpu.dma_semaphore, #tpu.memory_space<semaphore_mem>>)
      } else {
      }
      %lt3A_147 = arith.constant 125 : i32
      %lt3A_148 = arith.cmpi slt, %add3A_142, %lt3A_147 : i32
      %convert_element_type3A_149 = arith.extui %lt3A_148 : i1 to i32
      %cond3A_150 = arith.constant 0 : i32
      %cond3A_151 = arith.cmpi ne, %convert_element_type3A_149, %cond3A_150 : i32
      scf.if %cond3A_151 {
        %ge3A = arith.constant 3 : i32
        %ge3A_270 = arith.cmpi sge, %add3A_140, %ge3A : i32
        %convert_element_type3A_271 = arith.extui %ge3A_270 : i1 to i32
        %cond3A_272 = arith.constant 0 : i32
        %cond3A_273 = arith.cmpi ne, %convert_element_type3A_271, %cond3A_272 : i32
        scf.if %cond3A_273 {
          %dma_wait3A_295 = arith.constant 0 : i32
          %dma_wait3A_296 = arith.constant 0 : i32
          %dma_wait3A_297 = tpu.memref_slice %arg19[%dma_wait3A_295, %dma_wait3A_296] : memref<10240x128xf32, #tpu.memory_space<vmem_shared>> -> memref<10240x128xf32, #tpu.memory_space<vmem_shared>>
          tpu.wait_indirect_dma semaphore(%arg27 : memref<!tpu.dma_semaphore, #tpu.memory_space<semaphore_mem>>) src(%arg16 : memref<80x128xf32, #tpu.memory_space<vmem>>) dst(%dma_wait3A_297 : memref<10240x128xf32, #tpu.memory_space<vmem_shared>>)
        } else {
        }
        %mul3A_274 = arith.constant 160000 : i32
        %mul3A_275 = arith.muli %arg0, %mul3A_274 : i32
        %add3A_276 = arith.addi %mul3A_275, %mul3A_2 : i32
        %mul3A_277 = arith.constant 80 : i32
        %mul3A_278 = arith.muli %add3A_142, %mul3A_277 : i32
        %add3A_279 = arith.addi %add3A_276, %mul3A_278 : i32
        %dma_wait3A_280 = tpu.memref_slice %arg4[%add3A_279] : memref<320000xi32, #tpu.memory_space<hbm>> -> memref<80xi32, #tpu.memory_space<hbm>>
        %dma_wait3A_281 = tpu.memref_slice %arg4[%add3A_279] : memref<320000xi32, #tpu.memory_space<hbm>> -> memref<80xi32, #tpu.memory_space<hbm>>
        tpu.wait_dma2 semaphore(%arg31 : memref<!tpu.dma_semaphore, #tpu.memory_space<semaphore_mem>>) src(%dma_wait3A_281 : memref<80xi32, #tpu.memory_space<hbm>>) dst(%arg8 : memref<80xi32, #tpu.memory_space<vmem>>)
        %dma_start3A_282 = arith.constant 0 : i32
        %dma_start3A_283 = arith.constant 0 : i32
        %dma_start3A_284 = tpu.memref_slice %arg3[%dma_start3A_282, %dma_start3A_283] : memref<10000x128xf32, #tpu.memory_space<hbm>> -> memref<10000x128xf32, #tpu.memory_space<hbm>>
        tpu.enqueue_indirect_dma source(%dma_start3A_284 : memref<10000x128xf32, #tpu.memory_space<hbm>>) target(%arg16 : memref<80x128xf32, #tpu.memory_space<vmem>>) offsets(%arg8 : memref<80xi32, #tpu.memory_space<vmem>>) semaphore(%arg21 : memref<!tpu.dma_semaphore, #tpu.memory_space<semaphore_mem>>)
        %sub3A_285 = arith.constant 1 : i32
        %sub3A_286 = arith.subi %sub3A_285, %arg0 : i32
        %mul3A_287 = arith.constant 160000 : i32
        %mul3A_288 = arith.muli %sub3A_286, %mul3A_287 : i32
        %add3A_289 = arith.addi %mul3A_288, %mul3A_2 : i32
        %mul3A_290 = arith.constant 80 : i32
        %mul3A_291 = arith.muli %add3A_142, %mul3A_290 : i32
        %add3A_292 = arith.addi %add3A_289, %mul3A_291 : i32
        %dma_start3A_293 = tpu.memref_slice %arg4[%add3A_292] : memref<320000xi32, #tpu.memory_space<hbm>> -> memref<80xi32, #tpu.memory_space<hbm>>
        %dma_start3A_294 = tpu.memref_slice %arg4[%add3A_292] : memref<320000xi32, #tpu.memory_space<hbm>> -> memref<80xi32, #tpu.memory_space<hbm>>
        tpu.enqueue_dma source(%dma_start3A_294 : memref<80xi32, #tpu.memory_space<hbm>>) target(%arg12 : memref<80xi32, #tpu.memory_space<vmem>>) target_semaphore(%arg23 : memref<!tpu.dma_semaphore, #tpu.memory_space<semaphore_mem>>)
      } else {
      }
      %dma_wait3A_152 = arith.constant 0 : i32
      %dma_wait3A_153 = arith.constant 0 : i32
      %dma_wait3A_154 = tpu.memref_slice %arg3[%dma_wait3A_152, %dma_wait3A_153] : memref<10000x128xf32, #tpu.memory_space<hbm>> -> memref<10000x128xf32, #tpu.memory_space<hbm>>
      tpu.wait_indirect_dma semaphore(%arg20 : memref<!tpu.dma_semaphore, #tpu.memory_space<semaphore_mem>>) src(%dma_wait3A_154 : memref<10000x128xf32, #tpu.memory_space<hbm>>) dst(%arg15 : memref<80x128xf32, #tpu.memory_space<vmem>>)
      %sub3A_155 = arith.constant 1 : i32
      %sub3A_156 = arith.subi %sub3A_155, %arg0 : i32
      %mul3A_157 = arith.constant 160000 : i32
      %mul3A_158 = arith.muli %sub3A_156, %mul3A_157 : i32
      %add3A_159 = arith.addi %mul3A_158, %mul3A_2 : i32
      %mul3A_160 = arith.constant 80 : i32
      %mul3A_161 = arith.muli %add3A_140, %mul3A_160 : i32
      %add3A_162 = arith.addi %add3A_159, %mul3A_161 : i32
      %dma_wait3A_163 = tpu.memref_slice %arg4[%add3A_162] : memref<320000xi32, #tpu.memory_space<hbm>> -> memref<80xi32, #tpu.memory_space<hbm>>
      %dma_wait3A_164 = tpu.memref_slice %arg4[%add3A_162] : memref<320000xi32, #tpu.memory_space<hbm>> -> memref<80xi32, #tpu.memory_space<hbm>>
      tpu.wait_dma2 semaphore(%arg22 : memref<!tpu.dma_semaphore, #tpu.memory_space<semaphore_mem>>) src(%dma_wait3A_164 : memref<80xi32, #tpu.memory_space<hbm>>) dst(%arg11 : memref<80xi32, #tpu.memory_space<vmem>>)
      %dma_start3A_165 = arith.constant 0 : i32
      %dma_start3A_166 = arith.constant 0 : i32
      %dma_start3A_167 = tpu.memref_slice %arg19[%dma_start3A_165, %dma_start3A_166] : memref<10240x128xf32, #tpu.memory_space<vmem_shared>> -> memref<10240x128xf32, #tpu.memory_space<vmem_shared>>
      tpu.enqueue_indirect_dma source(%arg15 : memref<80x128xf32, #tpu.memory_space<vmem>>) target(%dma_start3A_167 : memref<10240x128xf32, #tpu.memory_space<vmem_shared>>) offsets(%arg11 : memref<80xi32, #tpu.memory_space<vmem>>) semaphore(%arg26 : memref<!tpu.dma_semaphore, #tpu.memory_space<semaphore_mem>>) {add = true}
      %mul3A_168 = arith.constant 4 : i32
      %mul3A_169 = arith.muli %add3A_136, %mul3A_168 : i32
      %add3A_170 = arith.constant 1 : i32
      %add3A_171 = arith.addi %mul3A_169, %add3A_170 : i32
      %add3A_172 = arith.constant 1 : i32
      %add3A_173 = arith.addi %add3A_171, %add3A_172 : i32
      %add3A_174 = arith.constant 2 : i32
      %add3A_175 = arith.addi %add3A_171, %add3A_174 : i32
      %lt3A_176 = arith.constant 125 : i32
      %lt3A_177 = arith.cmpi slt, %add3A_175, %lt3A_176 : i32
      %convert_element_type3A_178 = arith.extui %lt3A_177 : i1 to i32
      %cond3A_179 = arith.constant 0 : i32
      %cond3A_180 = arith.cmpi ne, %convert_element_type3A_178, %cond3A_179 : i32
      scf.if %cond3A_180 {
        %add3A_270 = arith.constant 2 : i32
        %add3A_271 = arith.addi %add3A_171, %add3A_270 : i32
        %mul3A_272 = arith.constant 160000 : i32
        %mul3A_273 = arith.muli %arg0, %mul3A_272 : i32
        %add3A_274 = arith.addi %mul3A_273, %mul3A_2 : i32
        %mul3A_275 = arith.constant 80 : i32
        %mul3A_276 = arith.muli %add3A_271, %mul3A_275 : i32
        %add3A_277 = arith.addi %add3A_274, %mul3A_276 : i32
        %dma_start3A_278 = tpu.memref_slice %arg4[%add3A_277] : memref<320000xi32, #tpu.memory_space<hbm>> -> memref<80xi32, #tpu.memory_space<hbm>>
        %dma_start3A_279 = tpu.memref_slice %arg4[%add3A_277] : memref<320000xi32, #tpu.memory_space<hbm>> -> memref<80xi32, #tpu.memory_space<hbm>>
        tpu.enqueue_dma source(%dma_start3A_279 : memref<80xi32, #tpu.memory_space<hbm>>) target(%arg10 : memref<80xi32, #tpu.memory_space<vmem>>) target_semaphore(%arg33 : memref<!tpu.dma_semaphore, #tpu.memory_space<semaphore_mem>>)
      } else {
      }
      %lt3A_181 = arith.constant 125 : i32
      %lt3A_182 = arith.cmpi slt, %add3A_173, %lt3A_181 : i32
      %convert_element_type3A_183 = arith.extui %lt3A_182 : i1 to i32
      %cond3A_184 = arith.constant 0 : i32
      %cond3A_185 = arith.cmpi ne, %convert_element_type3A_183, %cond3A_184 : i32
      scf.if %cond3A_185 {
        %ge3A = arith.constant 3 : i32
        %ge3A_270 = arith.cmpi sge, %add3A_171, %ge3A : i32
        %convert_element_type3A_271 = arith.extui %ge3A_270 : i1 to i32
        %cond3A_272 = arith.constant 0 : i32
        %cond3A_273 = arith.cmpi ne, %convert_element_type3A_271, %cond3A_272 : i32
        scf.if %cond3A_273 {
          %dma_wait3A_295 = arith.constant 0 : i32
          %dma_wait3A_296 = arith.constant 0 : i32
          %dma_wait3A_297 = tpu.memref_slice %arg19[%dma_wait3A_295, %dma_wait3A_296] : memref<10240x128xf32, #tpu.memory_space<vmem_shared>> -> memref<10240x128xf32, #tpu.memory_space<vmem_shared>>
          tpu.wait_indirect_dma semaphore(%arg28 : memref<!tpu.dma_semaphore, #tpu.memory_space<semaphore_mem>>) src(%arg17 : memref<80x128xf32, #tpu.memory_space<vmem>>) dst(%dma_wait3A_297 : memref<10240x128xf32, #tpu.memory_space<vmem_shared>>)
        } else {
        }
        %mul3A_274 = arith.constant 160000 : i32
        %mul3A_275 = arith.muli %arg0, %mul3A_274 : i32
        %add3A_276 = arith.addi %mul3A_275, %mul3A_2 : i32
        %mul3A_277 = arith.constant 80 : i32
        %mul3A_278 = arith.muli %add3A_173, %mul3A_277 : i32
        %add3A_279 = arith.addi %add3A_276, %mul3A_278 : i32
        %dma_wait3A_280 = tpu.memref_slice %arg4[%add3A_279] : memref<320000xi32, #tpu.memory_space<hbm>> -> memref<80xi32, #tpu.memory_space<hbm>>
        %dma_wait3A_281 = tpu.memref_slice %arg4[%add3A_279] : memref<320000xi32, #tpu.memory_space<hbm>> -> memref<80xi32, #tpu.memory_space<hbm>>
        tpu.wait_dma2 semaphore(%arg32 : memref<!tpu.dma_semaphore, #tpu.memory_space<semaphore_mem>>) src(%dma_wait3A_281 : memref<80xi32, #tpu.memory_space<hbm>>) dst(%arg9 : memref<80xi32, #tpu.memory_space<vmem>>)
        %dma_start3A_282 = arith.constant 0 : i32
        %dma_start3A_283 = arith.constant 0 : i32
        %dma_start3A_284 = tpu.memref_slice %arg3[%dma_start3A_282, %dma_start3A_283] : memref<10000x128xf32, #tpu.memory_space<hbm>> -> memref<10000x128xf32, #tpu.memory_space<hbm>>
        tpu.enqueue_indirect_dma source(%dma_start3A_284 : memref<10000x128xf32, #tpu.memory_space<hbm>>) target(%arg17 : memref<80x128xf32, #tpu.memory_space<vmem>>) offsets(%arg9 : memref<80xi32, #tpu.memory_space<vmem>>) semaphore(%arg20 : memref<!tpu.dma_semaphore, #tpu.memory_space<semaphore_mem>>)
        %sub3A_285 = arith.constant 1 : i32
        %sub3A_286 = arith.subi %sub3A_285, %arg0 : i32
        %mul3A_287 = arith.constant 160000 : i32
        %mul3A_288 = arith.muli %sub3A_286, %mul3A_287 : i32
        %add3A_289 = arith.addi %mul3A_288, %mul3A_2 : i32
        %mul3A_290 = arith.constant 80 : i32
        %mul3A_291 = arith.muli %add3A_173, %mul3A_290 : i32
        %add3A_292 = arith.addi %add3A_289, %mul3A_291 : i32
        %dma_start3A_293 = tpu.memref_slice %arg4[%add3A_292] : memref<320000xi32, #tpu.memory_space<hbm>> -> memref<80xi32, #tpu.memory_space<hbm>>
        %dma_start3A_294 = tpu.memref_slice %arg4[%add3A_292] : memref<320000xi32, #tpu.memory_space<hbm>> -> memref<80xi32, #tpu.memory_space<hbm>>
        tpu.enqueue_dma source(%dma_start3A_294 : memref<80xi32, #tpu.memory_space<hbm>>) target(%arg13 : memref<80xi32, #tpu.memory_space<vmem>>) target_semaphore(%arg24 : memref<!tpu.dma_semaphore, #tpu.memory_space<semaphore_mem>>)
      } else {
      }
      %dma_wait3A_186 = arith.constant 0 : i32
      %dma_wait3A_187 = arith.constant 0 : i32
      %dma_wait3A_188 = tpu.memref_slice %arg3[%dma_wait3A_186, %dma_wait3A_187] : memref<10000x128xf32, #tpu.memory_space<hbm>> -> memref<10000x128xf32, #tpu.memory_space<hbm>>
      tpu.wait_indirect_dma semaphore(%arg21 : memref<!tpu.dma_semaphore, #tpu.memory_space<semaphore_mem>>) src(%dma_wait3A_188 : memref<10000x128xf32, #tpu.memory_space<hbm>>) dst(%arg16 : memref<80x128xf32, #tpu.memory_space<vmem>>)
      %sub3A_189 = arith.constant 1 : i32
      %sub3A_190 = arith.subi %sub3A_189, %arg0 : i32
      %mul3A_191 = arith.constant 160000 : i32
      %mul3A_192 = arith.muli %sub3A_190, %mul3A_191 : i32
      %add3A_193 = arith.addi %mul3A_192, %mul3A_2 : i32
      %mul3A_194 = arith.constant 80 : i32
      %mul3A_195 = arith.muli %add3A_171, %mul3A_194 : i32
      %add3A_196 = arith.addi %add3A_193, %mul3A_195 : i32
      %dma_wait3A_197 = tpu.memref_slice %arg4[%add3A_196] : memref<320000xi32, #tpu.memory_space<hbm>> -> memref<80xi32, #tpu.memory_space<hbm>>
      %dma_wait3A_198 = tpu.memref_slice %arg4[%add3A_196] : memref<320000xi32, #tpu.memory_space<hbm>> -> memref<80xi32, #tpu.memory_space<hbm>>
      tpu.wait_dma2 semaphore(%arg23 : memref<!tpu.dma_semaphore, #tpu.memory_space<semaphore_mem>>) src(%dma_wait3A_198 : memref<80xi32, #tpu.memory_space<hbm>>) dst(%arg12 : memref<80xi32, #tpu.memory_space<vmem>>)
      %dma_start3A_199 = arith.constant 0 : i32
      %dma_start3A_200 = arith.constant 0 : i32
      %dma_start3A_201 = tpu.memref_slice %arg19[%dma_start3A_199, %dma_start3A_200] : memref<10240x128xf32, #tpu.memory_space<vmem_shared>> -> memref<10240x128xf32, #tpu.memory_space<vmem_shared>>
      tpu.enqueue_indirect_dma source(%arg16 : memref<80x128xf32, #tpu.memory_space<vmem>>) target(%dma_start3A_201 : memref<10240x128xf32, #tpu.memory_space<vmem_shared>>) offsets(%arg12 : memref<80xi32, #tpu.memory_space<vmem>>) semaphore(%arg27 : memref<!tpu.dma_semaphore, #tpu.memory_space<semaphore_mem>>) {add = true}
      %mul3A_202 = arith.constant 4 : i32
      %mul3A_203 = arith.muli %add3A_136, %mul3A_202 : i32
      %add3A_204 = arith.constant 2 : i32
      %add3A_205 = arith.addi %mul3A_203, %add3A_204 : i32
      %add3A_206 = arith.constant 1 : i32
      %add3A_207 = arith.addi %add3A_205, %add3A_206 : i32
      %add3A_208 = arith.constant 2 : i32
      %add3A_209 = arith.addi %add3A_205, %add3A_208 : i32
      %lt3A_210 = arith.constant 125 : i32
      %lt3A_211 = arith.cmpi slt, %add3A_209, %lt3A_210 : i32
      %convert_element_type3A_212 = arith.extui %lt3A_211 : i1 to i32
      %cond3A_213 = arith.constant 0 : i32
      %cond3A_214 = arith.cmpi ne, %convert_element_type3A_212, %cond3A_213 : i32
      scf.if %cond3A_214 {
        %add3A_270 = arith.constant 2 : i32
        %add3A_271 = arith.addi %add3A_205, %add3A_270 : i32
        %mul3A_272 = arith.constant 160000 : i32
        %mul3A_273 = arith.muli %arg0, %mul3A_272 : i32
        %add3A_274 = arith.addi %mul3A_273, %mul3A_2 : i32
        %mul3A_275 = arith.constant 80 : i32
        %mul3A_276 = arith.muli %add3A_271, %mul3A_275 : i32
        %add3A_277 = arith.addi %add3A_274, %mul3A_276 : i32
        %dma_start3A_278 = tpu.memref_slice %arg4[%add3A_277] : memref<320000xi32, #tpu.memory_space<hbm>> -> memref<80xi32, #tpu.memory_space<hbm>>
        %dma_start3A_279 = tpu.memref_slice %arg4[%add3A_277] : memref<320000xi32, #tpu.memory_space<hbm>> -> memref<80xi32, #tpu.memory_space<hbm>>
        tpu.enqueue_dma source(%dma_start3A_279 : memref<80xi32, #tpu.memory_space<hbm>>) target(%arg7 : memref<80xi32, #tpu.memory_space<vmem>>) target_semaphore(%arg30 : memref<!tpu.dma_semaphore, #tpu.memory_space<semaphore_mem>>)
      } else {
      }
      %lt3A_215 = arith.constant 125 : i32
      %lt3A_216 = arith.cmpi slt, %add3A_207, %lt3A_215 : i32
      %convert_element_type3A_217 = arith.extui %lt3A_216 : i1 to i32
      %cond3A_218 = arith.constant 0 : i32
      %cond3A_219 = arith.cmpi ne, %convert_element_type3A_217, %cond3A_218 : i32
      scf.if %cond3A_219 {
        %ge3A = arith.constant 3 : i32
        %ge3A_270 = arith.cmpi sge, %add3A_205, %ge3A : i32
        %convert_element_type3A_271 = arith.extui %ge3A_270 : i1 to i32
        %cond3A_272 = arith.constant 0 : i32
        %cond3A_273 = arith.cmpi ne, %convert_element_type3A_271, %cond3A_272 : i32
        scf.if %cond3A_273 {
          %dma_wait3A_295 = arith.constant 0 : i32
          %dma_wait3A_296 = arith.constant 0 : i32
          %dma_wait3A_297 = tpu.memref_slice %arg19[%dma_wait3A_295, %dma_wait3A_296] : memref<10240x128xf32, #tpu.memory_space<vmem_shared>> -> memref<10240x128xf32, #tpu.memory_space<vmem_shared>>
          tpu.wait_indirect_dma semaphore(%arg29 : memref<!tpu.dma_semaphore, #tpu.memory_space<semaphore_mem>>) src(%arg18 : memref<80x128xf32, #tpu.memory_space<vmem>>) dst(%dma_wait3A_297 : memref<10240x128xf32, #tpu.memory_space<vmem_shared>>)
        } else {
        }
        %mul3A_274 = arith.constant 160000 : i32
        %mul3A_275 = arith.muli %arg0, %mul3A_274 : i32
        %add3A_276 = arith.addi %mul3A_275, %mul3A_2 : i32
        %mul3A_277 = arith.constant 80 : i32
        %mul3A_278 = arith.muli %add3A_207, %mul3A_277 : i32
        %add3A_279 = arith.addi %add3A_276, %mul3A_278 : i32
        %dma_wait3A_280 = tpu.memref_slice %arg4[%add3A_279] : memref<320000xi32, #tpu.memory_space<hbm>> -> memref<80xi32, #tpu.memory_space<hbm>>
        %dma_wait3A_281 = tpu.memref_slice %arg4[%add3A_279] : memref<320000xi32, #tpu.memory_space<hbm>> -> memref<80xi32, #tpu.memory_space<hbm>>
        tpu.wait_dma2 semaphore(%arg33 : memref<!tpu.dma_semaphore, #tpu.memory_space<semaphore_mem>>) src(%dma_wait3A_281 : memref<80xi32, #tpu.memory_space<hbm>>) dst(%arg10 : memref<80xi32, #tpu.memory_space<vmem>>)
        %dma_start3A_282 = arith.constant 0 : i32
        %dma_start3A_283 = arith.constant 0 : i32
        %dma_start3A_284 = tpu.memref_slice %arg3[%dma_start3A_282, %dma_start3A_283] : memref<10000x128xf32, #tpu.memory_space<hbm>> -> memref<10000x128xf32, #tpu.memory_space<hbm>>
        tpu.enqueue_indirect_dma source(%dma_start3A_284 : memref<10000x128xf32, #tpu.memory_space<hbm>>) target(%arg18 : memref<80x128xf32, #tpu.memory_space<vmem>>) offsets(%arg10 : memref<80xi32, #tpu.memory_space<vmem>>) semaphore(%arg21 : memref<!tpu.dma_semaphore, #tpu.memory_space<semaphore_mem>>)
        %sub3A_285 = arith.constant 1 : i32
        %sub3A_286 = arith.subi %sub3A_285, %arg0 : i32
        %mul3A_287 = arith.constant 160000 : i32
        %mul3A_288 = arith.muli %sub3A_286, %mul3A_287 : i32
        %add3A_289 = arith.addi %mul3A_288, %mul3A_2 : i32
        %mul3A_290 = arith.constant 80 : i32
        %mul3A_291 = arith.muli %add3A_207, %mul3A_290 : i32
        %add3A_292 = arith.addi %add3A_289, %mul3A_291 : i32
        %dma_start3A_293 = tpu.memref_slice %arg4[%add3A_292] : memref<320000xi32, #tpu.memory_space<hbm>> -> memref<80xi32, #tpu.memory_space<hbm>>
        %dma_start3A_294 = tpu.memref_slice %arg4[%add3A_292] : memref<320000xi32, #tpu.memory_space<hbm>> -> memref<80xi32, #tpu.memory_space<hbm>>
        tpu.enqueue_dma source(%dma_start3A_294 : memref<80xi32, #tpu.memory_space<hbm>>) target(%arg14 : memref<80xi32, #tpu.memory_space<vmem>>) target_semaphore(%arg25 : memref<!tpu.dma_semaphore, #tpu.memory_space<semaphore_mem>>)
      } else {
      }
      %dma_wait3A_220 = arith.constant 0 : i32
      %dma_wait3A_221 = arith.constant 0 : i32
      %dma_wait3A_222 = tpu.memref_slice %arg3[%dma_wait3A_220, %dma_wait3A_221] : memref<10000x128xf32, #tpu.memory_space<hbm>> -> memref<10000x128xf32, #tpu.memory_space<hbm>>
      tpu.wait_indirect_dma semaphore(%arg20 : memref<!tpu.dma_semaphore, #tpu.memory_space<semaphore_mem>>) src(%dma_wait3A_222 : memref<10000x128xf32, #tpu.memory_space<hbm>>) dst(%arg17 : memref<80x128xf32, #tpu.memory_space<vmem>>)
      %sub3A_223 = arith.constant 1 : i32
      %sub3A_224 = arith.subi %sub3A_223, %arg0 : i32
      %mul3A_225 = arith.constant 160000 : i32
      %mul3A_226 = arith.muli %sub3A_224, %mul3A_225 : i32
      %add3A_227 = arith.addi %mul3A_226, %mul3A_2 : i32
      %mul3A_228 = arith.constant 80 : i32
      %mul3A_229 = arith.muli %add3A_205, %mul3A_228 : i32
      %add3A_230 = arith.addi %add3A_227, %mul3A_229 : i32
      %dma_wait3A_231 = tpu.memref_slice %arg4[%add3A_230] : memref<320000xi32, #tpu.memory_space<hbm>> -> memref<80xi32, #tpu.memory_space<hbm>>
      %dma_wait3A_232 = tpu.memref_slice %arg4[%add3A_230] : memref<320000xi32, #tpu.memory_space<hbm>> -> memref<80xi32, #tpu.memory_space<hbm>>
      tpu.wait_dma2 semaphore(%arg24 : memref<!tpu.dma_semaphore, #tpu.memory_space<semaphore_mem>>) src(%dma_wait3A_232 : memref<80xi32, #tpu.memory_space<hbm>>) dst(%arg13 : memref<80xi32, #tpu.memory_space<vmem>>)
      %dma_start3A_233 = arith.constant 0 : i32
      %dma_start3A_234 = arith.constant 0 : i32
      %dma_start3A_235 = tpu.memref_slice %arg19[%dma_start3A_233, %dma_start3A_234] : memref<10240x128xf32, #tpu.memory_space<vmem_shared>> -> memref<10240x128xf32, #tpu.memory_space<vmem_shared>>
      tpu.enqueue_indirect_dma source(%arg17 : memref<80x128xf32, #tpu.memory_space<vmem>>) target(%dma_start3A_235 : memref<10240x128xf32, #tpu.memory_space<vmem_shared>>) offsets(%arg13 : memref<80xi32, #tpu.memory_space<vmem>>) semaphore(%arg28 : memref<!tpu.dma_semaphore, #tpu.memory_space<semaphore_mem>>) {add = true}
      %mul3A_236 = arith.constant 4 : i32
      %mul3A_237 = arith.muli %add3A_136, %mul3A_236 : i32
      %add3A_238 = arith.constant 3 : i32
      %add3A_239 = arith.addi %mul3A_237, %add3A_238 : i32
      %add3A_240 = arith.constant 1 : i32
      %add3A_241 = arith.addi %add3A_239, %add3A_240 : i32
      %add3A_242 = arith.constant 2 : i32
      %add3A_243 = arith.addi %add3A_239, %add3A_242 : i32
      %lt3A_244 = arith.constant 125 : i32
      %lt3A_245 = arith.cmpi slt, %add3A_243, %lt3A_244 : i32
      %convert_element_type3A_246 = arith.extui %lt3A_245 : i1 to i32
      %cond3A_247 = arith.constant 0 : i32
      %cond3A_248 = arith.cmpi ne, %convert_element_type3A_246, %cond3A_247 : i32
      scf.if %cond3A_248 {
        %add3A_270 = arith.constant 2 : i32
        %add3A_271 = arith.addi %add3A_239, %add3A_270 : i32
        %mul3A_272 = arith.constant 160000 : i32
        %mul3A_273 = arith.muli %arg0, %mul3A_272 : i32
        %add3A_274 = arith.addi %mul3A_273, %mul3A_2 : i32
        %mul3A_275 = arith.constant 80 : i32
        %mul3A_276 = arith.muli %add3A_271, %mul3A_275 : i32
        %add3A_277 = arith.addi %add3A_274, %mul3A_276 : i32
        %dma_start3A_278 = tpu.memref_slice %arg4[%add3A_277] : memref<320000xi32, #tpu.memory_space<hbm>> -> memref<80xi32, #tpu.memory_space<hbm>>
        %dma_start3A_279 = tpu.memref_slice %arg4[%add3A_277] : memref<320000xi32, #tpu.memory_space<hbm>> -> memref<80xi32, #tpu.memory_space<hbm>>
        tpu.enqueue_dma source(%dma_start3A_279 : memref<80xi32, #tpu.memory_space<hbm>>) target(%arg8 : memref<80xi32, #tpu.memory_space<vmem>>) target_semaphore(%arg31 : memref<!tpu.dma_semaphore, #tpu.memory_space<semaphore_mem>>)
      } else {
      }
      %lt3A_249 = arith.constant 125 : i32
      %lt3A_250 = arith.cmpi slt, %add3A_241, %lt3A_249 : i32
      %convert_element_type3A_251 = arith.extui %lt3A_250 : i1 to i32
      %cond3A_252 = arith.constant 0 : i32
      %cond3A_253 = arith.cmpi ne, %convert_element_type3A_251, %cond3A_252 : i32
      scf.if %cond3A_253 {
        %ge3A = arith.constant 3 : i32
        %ge3A_270 = arith.cmpi sge, %add3A_239, %ge3A : i32
        %convert_element_type3A_271 = arith.extui %ge3A_270 : i1 to i32
        %cond3A_272 = arith.constant 0 : i32
        %cond3A_273 = arith.cmpi ne, %convert_element_type3A_271, %cond3A_272 : i32
        scf.if %cond3A_273 {
          %dma_wait3A_295 = arith.constant 0 : i32
          %dma_wait3A_296 = arith.constant 0 : i32
          %dma_wait3A_297 = tpu.memref_slice %arg19[%dma_wait3A_295, %dma_wait3A_296] : memref<10240x128xf32, #tpu.memory_space<vmem_shared>> -> memref<10240x128xf32, #tpu.memory_space<vmem_shared>>
          tpu.wait_indirect_dma semaphore(%arg26 : memref<!tpu.dma_semaphore, #tpu.memory_space<semaphore_mem>>) src(%arg15 : memref<80x128xf32, #tpu.memory_space<vmem>>) dst(%dma_wait3A_297 : memref<10240x128xf32, #tpu.memory_space<vmem_shared>>)
        } else {
        }
        %mul3A_274 = arith.constant 160000 : i32
        %mul3A_275 = arith.muli %arg0, %mul3A_274 : i32
        %add3A_276 = arith.addi %mul3A_275, %mul3A_2 : i32
        %mul3A_277 = arith.constant 80 : i32
        %mul3A_278 = arith.muli %add3A_241, %mul3A_277 : i32
        %add3A_279 = arith.addi %add3A_276, %mul3A_278 : i32
        %dma_wait3A_280 = tpu.memref_slice %arg4[%add3A_279] : memref<320000xi32, #tpu.memory_space<hbm>> -> memref<80xi32, #tpu.memory_space<hbm>>
        %dma_wait3A_281 = tpu.memref_slice %arg4[%add3A_279] : memref<320000xi32, #tpu.memory_space<hbm>> -> memref<80xi32, #tpu.memory_space<hbm>>
        tpu.wait_dma2 semaphore(%arg30 : memref<!tpu.dma_semaphore, #tpu.memory_space<semaphore_mem>>) src(%dma_wait3A_281 : memref<80xi32, #tpu.memory_space<hbm>>) dst(%arg7 : memref<80xi32, #tpu.memory_space<vmem>>)
        %dma_start3A_282 = arith.constant 0 : i32
        %dma_start3A_283 = arith.constant 0 : i32
        %dma_start3A_284 = tpu.memref_slice %arg3[%dma_start3A_282, %dma_start3A_283] : memref<10000x128xf32, #tpu.memory_space<hbm>> -> memref<10000x128xf32, #tpu.memory_space<hbm>>
        tpu.enqueue_indirect_dma source(%dma_start3A_284 : memref<10000x128xf32, #tpu.memory_space<hbm>>) target(%arg15 : memref<80x128xf32, #tpu.memory_space<vmem>>) offsets(%arg7 : memref<80xi32, #tpu.memory_space<vmem>>) semaphore(%arg20 : memref<!tpu.dma_semaphore, #tpu.memory_space<semaphore_mem>>)
        %sub3A_285 = arith.constant 1 : i32
        %sub3A_286 = arith.subi %sub3A_285, %arg0 : i32
        %mul3A_287 = arith.constant 160000 : i32
        %mul3A_288 = arith.muli %sub3A_286, %mul3A_287 : i32
        %add3A_289 = arith.addi %mul3A_288, %mul3A_2 : i32
        %mul3A_290 = arith.constant 80 : i32
        %mul3A_291 = arith.muli %add3A_241, %mul3A_290 : i32
        %add3A_292 = arith.addi %add3A_289, %mul3A_291 : i32
        %dma_start3A_293 = tpu.memref_slice %arg4[%add3A_292] : memref<320000xi32, #tpu.memory_space<hbm>> -> memref<80xi32, #tpu.memory_space<hbm>>
        %dma_start3A_294 = tpu.memref_slice %arg4[%add3A_292] : memref<320000xi32, #tpu.memory_space<hbm>> -> memref<80xi32, #tpu.memory_space<hbm>>
        tpu.enqueue_dma source(%dma_start3A_294 : memref<80xi32, #tpu.memory_space<hbm>>) target(%arg11 : memref<80xi32, #tpu.memory_space<vmem>>) target_semaphore(%arg22 : memref<!tpu.dma_semaphore, #tpu.memory_space<semaphore_mem>>)
      } else {
      }
      %dma_wait3A_254 = arith.constant 0 : i32
      %dma_wait3A_255 = arith.constant 0 : i32
      %dma_wait3A_256 = tpu.memref_slice %arg3[%dma_wait3A_254, %dma_wait3A_255] : memref<10000x128xf32, #tpu.memory_space<hbm>> -> memref<10000x128xf32, #tpu.memory_space<hbm>>
      tpu.wait_indirect_dma semaphore(%arg21 : memref<!tpu.dma_semaphore, #tpu.memory_space<semaphore_mem>>) src(%dma_wait3A_256 : memref<10000x128xf32, #tpu.memory_space<hbm>>) dst(%arg18 : memref<80x128xf32, #tpu.memory_space<vmem>>)
      %sub3A_257 = arith.constant 1 : i32
      %sub3A_258 = arith.subi %sub3A_257, %arg0 : i32
      %mul3A_259 = arith.constant 160000 : i32
      %mul3A_260 = arith.muli %sub3A_258, %mul3A_259 : i32
      %add3A_261 = arith.addi %mul3A_260, %mul3A_2 : i32
      %mul3A_262 = arith.constant 80 : i32
      %mul3A_263 = arith.muli %add3A_239, %mul3A_262 : i32
      %add3A_264 = arith.addi %add3A_261, %mul3A_263 : i32
      %dma_wait3A_265 = tpu.memref_slice %arg4[%add3A_264] : memref<320000xi32, #tpu.memory_space<hbm>> -> memref<80xi32, #tpu.memory_space<hbm>>
      %dma_wait3A_266 = tpu.memref_slice %arg4[%add3A_264] : memref<320000xi32, #tpu.memory_space<hbm>> -> memref<80xi32, #tpu.memory_space<hbm>>
      tpu.wait_dma2 semaphore(%arg25 : memref<!tpu.dma_semaphore, #tpu.memory_space<semaphore_mem>>) src(%dma_wait3A_266 : memref<80xi32, #tpu.memory_space<hbm>>) dst(%arg14 : memref<80xi32, #tpu.memory_space<vmem>>)
      %dma_start3A_267 = arith.constant 0 : i32
      %dma_start3A_268 = arith.constant 0 : i32
      %dma_start3A_269 = tpu.memref_slice %arg19[%dma_start3A_267, %dma_start3A_268] : memref<10240x128xf32, #tpu.memory_space<vmem_shared>> -> memref<10240x128xf32, #tpu.memory_space<vmem_shared>>
      tpu.enqueue_indirect_dma source(%arg18 : memref<80x128xf32, #tpu.memory_space<vmem>>) target(%dma_start3A_269 : memref<10240x128xf32, #tpu.memory_space<vmem_shared>>) offsets(%arg14 : memref<80xi32, #tpu.memory_space<vmem>>) semaphore(%arg29 : memref<!tpu.dma_semaphore, #tpu.memory_space<semaphore_mem>>) {add = true}
    }
    %scan3A_102 = arith.constant 31 : i32
    %dma_wait3A_103 = arith.constant 0 : i32
    %dma_wait3A_104 = arith.constant 0 : i32
    %dma_wait3A_105 = tpu.memref_slice %arg3[%dma_wait3A_103, %dma_wait3A_104] : memref<10000x128xf32, #tpu.memory_space<hbm>> -> memref<10000x128xf32, #tpu.memory_space<hbm>>
    tpu.wait_indirect_dma semaphore(%arg20 : memref<!tpu.dma_semaphore, #tpu.memory_space<semaphore_mem>>) src(%dma_wait3A_105 : memref<10000x128xf32, #tpu.memory_space<hbm>>) dst(%arg15 : memref<80x128xf32, #tpu.memory_space<vmem>>)
    %sub3A_106 = arith.constant 1 : i32
    %sub3A_107 = arith.subi %sub3A_106, %arg0 : i32
    %mul3A_108 = arith.constant 160000 : i32
    %mul3A_109 = arith.muli %sub3A_107, %mul3A_108 : i32
    %add3A_110 = arith.addi %mul3A_109, %mul3A_2 : i32
    %add3A_111 = arith.constant 9920 : i32
    %add3A_112 = arith.addi %add3A_110, %add3A_111 : i32
    %dma_wait3A_113 = tpu.memref_slice %arg4[%add3A_112] : memref<320000xi32, #tpu.memory_space<hbm>> -> memref<80xi32, #tpu.memory_space<hbm>>
    %dma_wait3A_114 = tpu.memref_slice %arg4[%add3A_112] : memref<320000xi32, #tpu.memory_space<hbm>> -> memref<80xi32, #tpu.memory_space<hbm>>
    tpu.wait_dma2 semaphore(%arg22 : memref<!tpu.dma_semaphore, #tpu.memory_space<semaphore_mem>>) src(%dma_wait3A_114 : memref<80xi32, #tpu.memory_space<hbm>>) dst(%arg11 : memref<80xi32, #tpu.memory_space<vmem>>)
    %dma_start3A_115 = arith.constant 0 : i32
    %dma_start3A_116 = arith.constant 0 : i32
    %dma_start3A_117 = tpu.memref_slice %arg19[%dma_start3A_115, %dma_start3A_116] : memref<10240x128xf32, #tpu.memory_space<vmem_shared>> -> memref<10240x128xf32, #tpu.memory_space<vmem_shared>>
    tpu.enqueue_indirect_dma source(%arg15 : memref<80x128xf32, #tpu.memory_space<vmem>>) target(%dma_start3A_117 : memref<10240x128xf32, #tpu.memory_space<vmem_shared>>) offsets(%arg11 : memref<80xi32, #tpu.memory_space<vmem>>) semaphore(%arg26 : memref<!tpu.dma_semaphore, #tpu.memory_space<semaphore_mem>>) {add = true}
    %dma_wait3A_118 = arith.constant 0 : i32
    %dma_wait3A_119 = arith.constant 0 : i32
    %dma_wait3A_120 = tpu.memref_slice %arg19[%dma_wait3A_118, %dma_wait3A_119] : memref<10240x128xf32, #tpu.memory_space<vmem_shared>> -> memref<10240x128xf32, #tpu.memory_space<vmem_shared>>
    tpu.wait_indirect_dma semaphore(%arg27 : memref<!tpu.dma_semaphore, #tpu.memory_space<semaphore_mem>>) src(%arg16 : memref<80x128xf32, #tpu.memory_space<vmem>>) dst(%dma_wait3A_120 : memref<10240x128xf32, #tpu.memory_space<vmem_shared>>)
    %dma_wait3A_121 = arith.constant 0 : i32
    %dma_wait3A_122 = arith.constant 0 : i32
    %dma_wait3A_123 = tpu.memref_slice %arg19[%dma_wait3A_121, %dma_wait3A_122] : memref<10240x128xf32, #tpu.memory_space<vmem_shared>> -> memref<10240x128xf32, #tpu.memory_space<vmem_shared>>
    tpu.wait_indirect_dma semaphore(%arg28 : memref<!tpu.dma_semaphore, #tpu.memory_space<semaphore_mem>>) src(%arg17 : memref<80x128xf32, #tpu.memory_space<vmem>>) dst(%dma_wait3A_123 : memref<10240x128xf32, #tpu.memory_space<vmem_shared>>)
    %dma_wait3A_124 = arith.constant 0 : i32
    %dma_wait3A_125 = arith.constant 0 : i32
    %dma_wait3A_126 = tpu.memref_slice %arg19[%dma_wait3A_124, %dma_wait3A_125] : memref<10240x128xf32, #tpu.memory_space<vmem_shared>> -> memref<10240x128xf32, #tpu.memory_space<vmem_shared>>
    tpu.wait_indirect_dma semaphore(%arg29 : memref<!tpu.dma_semaphore, #tpu.memory_space<semaphore_mem>>) src(%arg18 : memref<80x128xf32, #tpu.memory_space<vmem>>) dst(%dma_wait3A_126 : memref<10240x128xf32, #tpu.memory_space<vmem_shared>>)
    %dma_wait3A_127 = arith.constant 0 : i32
    %dma_wait3A_128 = arith.constant 0 : i32
    %dma_wait3A_129 = tpu.memref_slice %arg19[%dma_wait3A_127, %dma_wait3A_128] : memref<10240x128xf32, #tpu.memory_space<vmem_shared>> -> memref<10240x128xf32, #tpu.memory_space<vmem_shared>>
    tpu.wait_indirect_dma semaphore(%arg26 : memref<!tpu.dma_semaphore, #tpu.memory_space<semaphore_mem>>) src(%arg15 : memref<80x128xf32, #tpu.memory_space<vmem>>) dst(%dma_wait3A_129 : memref<10240x128xf32, #tpu.memory_space<vmem_shared>>)
    %barrier3A_130 = arith.constant 0 : index
    tpu.barrier barrier_id(%barrier3A_130)
    %run_scoped3A_131 = arith.constant 1 : i32
    "tpu.region"() ({
      %run_scoped3A_132 = tpu.sem_alloc : memref<!tpu.dma_semaphore, #tpu.memory_space<semaphore_mem>>
      %dma_start3A_133 = arith.constant 0 : i32
      %dma_start3A_134 = tpu.memref_slice %arg6[%arg0, %run_scoped3A_131, %mul3A_0, %dma_start3A_133] : memref<2x2x10240x128xf32, #tpu.memory_space<hbm>> -> memref<1x1x640x128xf32, #tpu.memory_space<hbm>>
      %dma_start3A_135 = tpu.memref_squeeze %dma_start3A_134 : memref<1x1x640x128xf32, #tpu.memory_space<hbm>> -> memref<640x128xf32, #tpu.memory_space<hbm>>
      %dma_start3A_136 = arith.constant 0 : i32
      %dma_start3A_137 = tpu.memref_slice %arg19[%mul3A_0, %dma_start3A_136] : memref<10240x128xf32, #tpu.memory_space<vmem_shared>> -> memref<640x128xf32, #tpu.memory_space<vmem_shared>>
      tpu.enqueue_dma source(%dma_start3A_137 : memref<640x128xf32, #tpu.memory_space<vmem_shared>>) target(%dma_start3A_135 : memref<640x128xf32, #tpu.memory_space<hbm>>) target_semaphore(%run_scoped3A_132 : memref<!tpu.dma_semaphore, #tpu.memory_space<semaphore_mem>>)
      %dma_wait3A_138 = arith.constant 0 : i32
      %dma_wait3A_139 = tpu.memref_slice %arg6[%arg0, %run_scoped3A_131, %mul3A_0, %dma_wait3A_138] : memref<2x2x10240x128xf32, #tpu.memory_space<hbm>> -> memref<1x1x640x128xf32, #tpu.memory_space<hbm>>
      %dma_wait3A_140 = tpu.memref_squeeze %dma_wait3A_139 : memref<1x1x640x128xf32, #tpu.memory_space<hbm>> -> memref<640x128xf32, #tpu.memory_space<hbm>>
      %dma_wait3A_141 = arith.constant 0 : i32
      %dma_wait3A_142 = tpu.memref_slice %arg19[%mul3A_0, %dma_wait3A_141] : memref<10240x128xf32, #tpu.memory_space<vmem_shared>> -> memref<640x128xf32, #tpu.memory_space<vmem_shared>>
      tpu.wait_dma2 semaphore(%run_scoped3A_132 : memref<!tpu.dma_semaphore, #tpu.memory_space<semaphore_mem>>) src(%dma_wait3A_142 : memref<640x128xf32, #tpu.memory_space<vmem_shared>>) dst(%dma_wait3A_140 : memref<640x128xf32, #tpu.memory_space<hbm>>)
      tpu.yield
    }) : () -> ()
    return
  }
}

module attributes {stable_mosaic.version = 14 : i64} {
  func.func @_mlp_body(%arg0: i32, %arg1: memref<1000x256xf32, #tpu.memory_space<vmem>>, %arg2: memref<1000x128xf32, #tpu.memory_space<vmem>>, %arg3: memref<1000x128xf32, #tpu.memory_space<vmem>>, %arg4: memref<1000x128xf32, #tpu.memory_space<vmem>>, %arg5: memref<1000x128xf32, #tpu.memory_space<vmem>>, %arg6: memref<256x256xf32, #tpu.memory_space<vmem>>, %arg7: memref<1x256xf32, #tpu.memory_space<vmem>>, %arg8: memref<256x256xf32, #tpu.memory_space<vmem>>, %arg9: memref<1x256xf32, #tpu.memory_space<vmem>>, %arg10: memref<256x256xf32, #tpu.memory_space<vmem>>, %arg11: memref<1x256xf32, #tpu.memory_space<vmem>>, %arg12: memref<256x256xf32, #tpu.memory_space<vmem>>, %arg13: memref<1x256xf32, #tpu.memory_space<vmem>>, %arg14: memref<1000x256xf32, #tpu.memory_space<vmem>>) attributes {dimension_semantics = [#tpu.dimension_semantics<arbitrary>], iteration_bounds = array<i64: 10>, scalar_prefetch = 0 : i64, scratch_operands = 0 : i64, tpu.core_type = #tpu.core_type<tc>, window_params = [{transform_indices = @transform_0, window_bounds = array<i64: 1000, 256>}, {transform_indices = @transform_1, window_bounds = array<i64: 1000, 128>}, {transform_indices = @transform_2, window_bounds = array<i64: 1000, 128>}, {transform_indices = @transform_3, window_bounds = array<i64: 1000, 128>}, {transform_indices = @transform_4, window_bounds = array<i64: 1000, 128>}, {pipeline_mode = #tpu.pipeline_mode<synchronous>, transform_indices = @transform_5, window_bounds = array<i64: 256, 256>}, {pipeline_mode = #tpu.pipeline_mode<synchronous>, transform_indices = @transform_6, window_bounds = array<i64: 1, 256>}, {pipeline_mode = #tpu.pipeline_mode<synchronous>, transform_indices = @transform_7, window_bounds = array<i64: 256, 256>}, {pipeline_mode = #tpu.pipeline_mode<synchronous>, transform_indices = @transform_8, window_bounds = array<i64: 1, 256>}, {pipeline_mode = #tpu.pipeline_mode<synchronous>, transform_indices = @transform_9, window_bounds = array<i64: 256, 256>}, {pipeline_mode = #tpu.pipeline_mode<synchronous>, transform_indices = @transform_10, window_bounds = array<i64: 1, 256>}, {pipeline_mode = #tpu.pipeline_mode<synchronous>, transform_indices = @transform_11, window_bounds = array<i64: 256, 256>}, {pipeline_mode = #tpu.pipeline_mode<synchronous>, transform_indices = @transform_12, window_bounds = array<i64: 1, 256>}, {transform_indices = @transform_13, window_bounds = array<i64: 1000, 256>}]} {
    %get3A = arith.constant 0 : index
    %get3A_0 = arith.constant 0 : index
    %get3A_1 = vector.load %arg1[%get3A, %get3A_0] : memref<1000x256xf32, #tpu.memory_space<vmem>>, vector<1000x256xf32>
    %get3A_2 = arith.constant 0 : index
    %get3A_3 = arith.constant 0 : index
    %get3A_4 = vector.load %arg2[%get3A_2, %get3A_3] : memref<1000x128xf32, #tpu.memory_space<vmem>>, vector<1000x128xf32>
    %get3A_5 = arith.constant 0 : index
    %get3A_6 = arith.constant 0 : index
    %get3A_7 = vector.load %arg3[%get3A_5, %get3A_6] : memref<1000x128xf32, #tpu.memory_space<vmem>>, vector<1000x128xf32>
    %concatenate3A = tpu.concatenate %get3A_4, %get3A_7 in 1 : vector<1000x128xf32>, vector<1000x128xf32> -> vector<1000x256xf32>
    %add3A = arith.addf %get3A_1, %concatenate3A : vector<1000x256xf32>
    %get3A_8 = arith.constant 0 : index
    %get3A_9 = arith.constant 0 : index
    %get3A_10 = vector.load %arg4[%get3A_8, %get3A_9] : memref<1000x128xf32, #tpu.memory_space<vmem>>, vector<1000x128xf32>
    %get3A_11 = arith.constant 0 : index
    %get3A_12 = arith.constant 0 : index
    %get3A_13 = vector.load %arg5[%get3A_11, %get3A_12] : memref<1000x128xf32, #tpu.memory_space<vmem>>, vector<1000x128xf32>
    %concatenate3A_14 = tpu.concatenate %get3A_10, %get3A_13 in 1 : vector<1000x128xf32>, vector<1000x128xf32> -> vector<1000x256xf32>
    %add3A_15 = arith.addf %get3A_1, %concatenate3A_14 : vector<1000x256xf32>
    %get3A_16 = arith.constant 0 : index
    %get3A_17 = arith.constant 0 : index
    %get3A_18 = vector.load %arg6[%get3A_16, %get3A_17] : memref<256x256xf32, #tpu.memory_space<vmem>>, vector<256x256xf32>
    %dot_general3A = arith.constant dense<0.000000e+00> : vector<1000x256xf32>
    %dot_general3A_19 = tpu.matmul %add3A, %get3A_18, %dot_general3A {dimension_numbers = #tpu.dot_dimension_numbers<[1], [0], [0], [1], [0, 0, 1, 1], [], []>, transpose_lhs_hint = false} : vector<1000x256xf32>, vector<256x256xf32>, vector<1000x256xf32> -> vector<1000x256xf32>
    %get3A_20 = arith.constant 0 : index
    %get3A_21 = arith.constant 0 : index
    %get3A_22 = vector.load %arg7[%get3A_20, %get3A_21] : memref<1x256xf32, #tpu.memory_space<vmem>>, vector<1x256xf32>
    %add3A_23 = vector.broadcast %get3A_22 : vector<1x256xf32> to vector<1000x256xf32>
    %add3A_24 = arith.addf %dot_general3A_19, %add3A_23 : vector<1000x256xf32>
    %max3A = arith.constant 0.000000e+00 : f32
    %max3A_25 = vector.broadcast %max3A : f32 to vector<1000x256xf32>
    %max3A_26 = arith.maximumf %add3A_24, %max3A_25 : vector<1000x256xf32>
    %get3A_27 = arith.constant 0 : index
    %get3A_28 = arith.constant 0 : index
    %get3A_29 = vector.load %arg8[%get3A_27, %get3A_28] : memref<256x256xf32, #tpu.memory_space<vmem>>, vector<256x256xf32>
    %dot_general3A_30 = arith.constant dense<0.000000e+00> : vector<1000x256xf32>
    %dot_general3A_31 = tpu.matmul %max3A_26, %get3A_29, %dot_general3A_30 {dimension_numbers = #tpu.dot_dimension_numbers<[1], [0], [0], [1], [0, 0, 1, 1], [], []>, transpose_lhs_hint = false} : vector<1000x256xf32>, vector<256x256xf32>, vector<1000x256xf32> -> vector<1000x256xf32>
    %get3A_32 = arith.constant 0 : index
    %get3A_33 = arith.constant 0 : index
    %get3A_34 = vector.load %arg9[%get3A_32, %get3A_33] : memref<1x256xf32, #tpu.memory_space<vmem>>, vector<1x256xf32>
    %add3A_35 = vector.broadcast %get3A_34 : vector<1x256xf32> to vector<1000x256xf32>
    %add3A_36 = arith.addf %dot_general3A_31, %add3A_35 : vector<1000x256xf32>
    %get3A_37 = arith.constant 0 : index
    %get3A_38 = arith.constant 0 : index
    %get3A_39 = vector.load %arg10[%get3A_37, %get3A_38] : memref<256x256xf32, #tpu.memory_space<vmem>>, vector<256x256xf32>
    %dot_general3A_40 = arith.constant dense<0.000000e+00> : vector<1000x256xf32>
    %dot_general3A_41 = tpu.matmul %add3A_15, %get3A_39, %dot_general3A_40 {dimension_numbers = #tpu.dot_dimension_numbers<[1], [0], [0], [1], [0, 0, 1, 1], [], []>, transpose_lhs_hint = false} : vector<1000x256xf32>, vector<256x256xf32>, vector<1000x256xf32> -> vector<1000x256xf32>
    %get3A_42 = arith.constant 0 : index
    %get3A_43 = arith.constant 0 : index
    %get3A_44 = vector.load %arg11[%get3A_42, %get3A_43] : memref<1x256xf32, #tpu.memory_space<vmem>>, vector<1x256xf32>
    %add3A_45 = vector.broadcast %get3A_44 : vector<1x256xf32> to vector<1000x256xf32>
    %add3A_46 = arith.addf %dot_general3A_41, %add3A_45 : vector<1000x256xf32>
    %max3A_47 = arith.constant 0.000000e+00 : f32
    %max3A_48 = vector.broadcast %max3A_47 : f32 to vector<1000x256xf32>
    %max3A_49 = arith.maximumf %add3A_46, %max3A_48 : vector<1000x256xf32>
    %get3A_50 = arith.constant 0 : index
    %get3A_51 = arith.constant 0 : index
    %get3A_52 = vector.load %arg12[%get3A_50, %get3A_51] : memref<256x256xf32, #tpu.memory_space<vmem>>, vector<256x256xf32>
    %dot_general3A_53 = arith.constant dense<0.000000e+00> : vector<1000x256xf32>
    %dot_general3A_54 = tpu.matmul %max3A_49, %get3A_52, %dot_general3A_53 {dimension_numbers = #tpu.dot_dimension_numbers<[1], [0], [0], [1], [0, 0, 1, 1], [], []>, transpose_lhs_hint = false} : vector<1000x256xf32>, vector<256x256xf32>, vector<1000x256xf32> -> vector<1000x256xf32>
    %get3A_55 = arith.constant 0 : index
    %get3A_56 = arith.constant 0 : index
    %get3A_57 = vector.load %arg13[%get3A_55, %get3A_56] : memref<1x256xf32, #tpu.memory_space<vmem>>, vector<1x256xf32>
    %add3A_58 = vector.broadcast %get3A_57 : vector<1x256xf32> to vector<1000x256xf32>
    %add3A_59 = arith.addf %dot_general3A_54, %add3A_58 : vector<1000x256xf32>
    %mul3A = arith.constant 5.000000e-01 : f32
    %mul3A_60 = vector.broadcast %mul3A : f32 to vector<1000x256xf32>
    %mul3A_61 = arith.mulf %mul3A_60, %add3A_36 : vector<1000x256xf32>
    %mul3A_62 = arith.constant 5.000000e-01 : f32
    %mul3A_63 = vector.broadcast %mul3A_62 : f32 to vector<1000x256xf32>
    %mul3A_64 = arith.mulf %mul3A_63, %add3A_59 : vector<1000x256xf32>
    %add3A_65 = arith.addf %mul3A_61, %mul3A_64 : vector<1000x256xf32>
    %swap3A = arith.constant 0 : index
    %swap3A_66 = arith.constant 0 : index
    %swap3A_67 = vector.load %arg14[%swap3A, %swap3A_66] : memref<1000x256xf32, #tpu.memory_space<vmem>>, vector<1000x256xf32>
    tpu.vector_store %arg14[%swap3A, %swap3A_66], %add3A_65 {strides = array<i32>} : memref<1000x256xf32, #tpu.memory_space<vmem>>, vector<1000x256xf32>,
    return
  }
  func.func @transform_0(%arg0: i32) -> (i32, i32) {
    %c0_i32 = arith.constant 0 : i32
    %c0_i32_0 = arith.constant 0 : i32
    return %arg0, %c0_i32 : i32, i32
  }
  func.func @transform_1(%arg0: i32) -> (i32, i32) {
    %c0_i32 = arith.constant 0 : i32
    %c0_i32_0 = arith.constant 0 : i32
    return %arg0, %c0_i32 : i32, i32
  }
  func.func @transform_2(%arg0: i32) -> (i32, i32) {
    %c0_i32 = arith.constant 0 : i32
    %c0_i32_0 = arith.constant 0 : i32
    return %arg0, %c0_i32 : i32, i32
  }
  func.func @transform_3(%arg0: i32) -> (i32, i32) {
    %c0_i32 = arith.constant 0 : i32
    %c0_i32_0 = arith.constant 0 : i32
    return %arg0, %c0_i32 : i32, i32
  }
  func.func @transform_4(%arg0: i32) -> (i32, i32) {
    %c0_i32 = arith.constant 0 : i32
    %c0_i32_0 = arith.constant 0 : i32
    return %arg0, %c0_i32 : i32, i32
  }
  func.func @transform_5(%arg0: i32) -> (i32, i32) {
    %c0_i32 = arith.constant 0 : i32
    %c0_i32_0 = arith.constant 0 : i32
    %c0_i32_1 = arith.constant 0 : i32
    return %c0_i32, %c0_i32_0 : i32, i32
  }
  func.func @transform_6(%arg0: i32) -> (i32, i32) {
    %c0_i32 = arith.constant 0 : i32
    %c0_i32_0 = arith.constant 0 : i32
    %c0_i32_1 = arith.constant 0 : i32
    return %c0_i32, %c0_i32_0 : i32, i32
  }
  func.func @transform_7(%arg0: i32) -> (i32, i32) {
    %c0_i32 = arith.constant 0 : i32
    %c0_i32_0 = arith.constant 0 : i32
    %c0_i32_1 = arith.constant 0 : i32
    return %c0_i32, %c0_i32_0 : i32, i32
  }
  func.func @transform_8(%arg0: i32) -> (i32, i32) {
    %c0_i32 = arith.constant 0 : i32
    %c0_i32_0 = arith.constant 0 : i32
    %c0_i32_1 = arith.constant 0 : i32
    return %c0_i32, %c0_i32_0 : i32, i32
  }
  func.func @transform_9(%arg0: i32) -> (i32, i32) {
    %c0_i32 = arith.constant 0 : i32
    %c0_i32_0 = arith.constant 0 : i32
    %c0_i32_1 = arith.constant 0 : i32
    return %c0_i32, %c0_i32_0 : i32, i32
  }
  func.func @transform_10(%arg0: i32) -> (i32, i32) {
    %c0_i32 = arith.constant 0 : i32
    %c0_i32_0 = arith.constant 0 : i32
    %c0_i32_1 = arith.constant 0 : i32
    return %c0_i32, %c0_i32_0 : i32, i32
  }
  func.func @transform_11(%arg0: i32) -> (i32, i32) {
    %c0_i32 = arith.constant 0 : i32
    %c0_i32_0 = arith.constant 0 : i32
    %c0_i32_1 = arith.constant 0 : i32
    return %c0_i32, %c0_i32_0 : i32, i32
  }
  func.func @transform_12(%arg0: i32) -> (i32, i32) {
    %c0_i32 = arith.constant 0 : i32
    %c0_i32_0 = arith.constant 0 : i32
    %c0_i32_1 = arith.constant 0 : i32
    return %c0_i32, %c0_i32_0 : i32, i32
  }
  func.func @transform_13(%arg0: i32) -> (i32, i32) {
    %c0_i32 = arith.constant 0 : i32
    %c0_i32_0 = arith.constant 0 : i32
    return %arg0, %c0_i32 : i32, i32
  }
}

</mosaic_0001>

<sc_bundles>
// kernel: kernel.4.cloned.1.call-start
scs
__scs_entry_jumppad:
0x0: {  	(pc) =	sbr.rel $0x88, $3  }
0x1: {  	(tag) =	ssettag $0x0;
	lr =	simm.s32 $0x1  }
0x2: {  	[smem:$0x3F97] =	sst lr;
	_ =	strace $0xD0000000  }
0x3: {  	_ = 	snop  }
0x4: {  	_ = 	snop  }
0x5: {  	_ = 	snop  }
0x6: {  	_ = 	snop  }
0x7: {  	_ = 	snop  }
__scs_overlays_trampoline_lowered:
0x8: {  	[smem:$0x3FA6] =	sst s0  }
0x9: {  	[smem:$0x3FA7] =	sst s1  }
0xa: {  	[smem:$0x3FA8] =	sst s2  }
0xb: {  	[smem:$0x3FA9] =	sst s3  }
0xc: {  	[smem:$0x3FAA] =	sst s4  }
0xd: {  	[smem:$0x3FAB] =	sst s5  }
0xe: {  	[smem:$0x3FAC] =	sst s6  }
0xf: {  	[smem:$0x3FAD] =	sst s7  }
0x10: {  	[smem:$0x3FAE] =	sst s8  }
0x11: {  	[smem:$0x3FAF] =	sst s9;
	s0 =	simm.s32 @!p0 $0x0  }
0x12: {  	s1 =	sld [smem:$0x3F95];
	s0 =	simm.s32 @p0 $0x1  }
0x13: {  	[smem:$0x3FB0] =	sst s0;
	s0 =	simm.s32 @!p1 $0x0  }
0x14: {  	s2 =	sld [smem:$0x3F94];
	s0 =	simm.s32 @p1 $0x1  }
0x15: {  	[smem:$0x3FB1] =	sst s0;
	s0 =	simm.s32 @!p2 $0x0  }
0x16: {  	s3 =	sld [smem:$0x3FDB];
	s0 =	simm.s32 @p2 $0x1  }
0x17: {  	s4 =	simm.s32 $0x1BF5;
	[smem:$0x3FB3] =	sst s0  }
0x18: {  	s0 =	sld [smem:$0x3F96];
	_ =	swait.ge [sflag:s4], $0x0  }
0x19: {  	s7 =	sld [smem:$0x3F97]  }
0x1a: {  	s8 =	sadd.s32 $0xFFFFE003, lr  }
0x1b: {  	s9 =	sadd.s32 $0xFFFFFEF7, lr;
	s5 =	simm.s32 $0xFFFFFFFF;
	p2 =	slt.u32 s8, $0xFFFFF086  }
0x1c: {  	p1 =	slt.u32 s9, $0xF7A;
	s5 =	simm.s32 @!p2 $0x0  }
0x1d: {  	s5 =	simm.s32 @p1 $0x1;
	p0 =	seq.s32 s7, s2  }
0x1e: {  	s7 =	smul.u32 @!p0 $0xF7A, s2;
	p2 =	seq.s32 @!p0 s5, $0x0  }
0x1f: {  	s9 =	smul.u32 $0xF7A, s1;
	s8 =	simm.s32 @!p0 $0x1BF5;
	p2 =	por !p2, p0  }
0x20: {  	[sflag:s8] =	ssyncset.s32 @!p0 $0xFFFFF086;
	s6 =	sadd.s32 @!p0 s3, s7;
	s7 =	simm.s32 @!p0 $0x108  }
0x21: {  	s3 =	sadd.s32 s3, s9;
	s6 =	sadd.s32 @!p0 $0x88, s6;
	s7 =	simm.s32 @p2 $0x1082  }
0x22: {  	[simem:s7], [sflag:s8] =	dma.local @!p0 [hbm:s6], $0xF7A  }
0x23: {  	s9 =	sor.u32 $0xD0000000, s2;
	s6 =	simm.s32 $0x108;
	_ =	swait.ge @!p0 [sflag:s8], $0x0  }
0x24: {  	s3 =	sadd.s32 $0x88, s3;
	s6 =	simm.s32 @!p1 $0x1082;
	[sflag:s4] =	ssyncset.s32 $0xFFFFF086  }
0x25: {  	[simem:s6], [sflag:s4] =	dma.local [hbm:s3], $0xF7A  }
0x26: {  	[smem:$0x3F97] =	sst s1;
	(tag) =	ssettag s2;
	_ =	strace s9  }
0x27: {  	s1 =	sld [smem:$0x3FA7]  }
0x28: {  	s2 =	sld [smem:$0x3FA8]  }
0x29: {  	s4 =	sld [smem:$0x3FAA]  }
0x2a: {  	p0 =	seq.s32 s5, $0x0;
	s5 =	sld [smem:$0x3FAB]  }
0x2b: {  	s6 =	sld [smem:$0x3FAC]  }
0x2c: {  	s7 =	sld [smem:$0x3FAD]  }
0x2d: {  	s3 =	simm.s32 $0x108;
	s8 =	sld [smem:$0x3FAE]  }
0x2e: {  	s3 =	simm.s32 @!p0 $0x1082;
	s9 =	sld [smem:$0x3FAF]  }
0x2f: {  	lr =	sadd.s32 s0, s3;
	s0 =	sld [smem:$0x3FA6]  }
0x30: {  	s3 =	sld [smem:$0x3FA9]  }
0x31: {  	[smem:$0x3FB2] =	sst s10  }
0x32: {  	s10 =	sld [smem:$0x3FB0];
	_ =	sdelay $0x3  }
0x33: {  	p0 =	seq.s32 s10, $0x1;
	s10 =	sld [smem:$0x3FB2];
	_ =	sdelay $0x3  }
0x34: {  	[smem:$0x3FB2] =	sst s10  }
0x35: {  	s10 =	sld [smem:$0x3FB1];
	_ =	sdelay $0x3  }
0x36: {  	p1 =	seq.s32 s10, $0x1;
	s10 =	sld [smem:$0x3FB2];
	_ =	sdelay $0x3  }
0x37: {  	[smem:$0x3FB2] =	sst s10  }
0x38: {  	s10 =	sld [smem:$0x3FB3]  }
0x39: {  	_ = 	snop;
	(pc) =	sbr.ind lr, $3  }
0x3a: {  	_ = 	snop  }
0x3b: {  	_ = 	snop  }
0x3c: {  	p2 =	seq.s32 s10, $0x1;
	s10 =	sld [smem:$0x3FB2]  }
0x3d: {  	_ =	shalt  }
0x3e: {  	_ =	shalt  }
0x3f: {  	_ =	shalt  }
0x40: {  	_ =	shalt  }
0x41: {  	_ =	shalt  }
0x42: {  	_ =	shalt  }
0x43: {  	_ =	shalt  }
0x44: {  	_ =	shalt  }
0x45: {  	_ =	shalt  }
0x46: {  	_ =	shalt  }
0x47: {  	_ =	shalt  }
0x48: {  	_ =	shalt  }
0x49: {  	_ =	shalt  }
0x4a: {  	_ =	shalt  }
0x4b: {  	_ =	shalt  }
0x4c: {  	_ =	shalt  }
0x4d: {  	_ =	shalt  }
0x4e: {  	_ =	shalt  }
0x4f: {  	_ =	shalt  }
0x50: {  	_ =	shalt  }
0x51: {  	_ =	shalt  }
0x52: {  	_ =	shalt  }
0x53: {  	_ =	shalt  }
0x54: {  	_ =	shalt  }
0x55: {  	_ =	shalt  }
0x56: {  	_ =	shalt  }
0x57: {  	_ =	shalt  }
0x58: {  	_ =	shalt  }
0x59: {  	_ =	shalt  }
0x5a: {  	_ =	shalt  }
0x5b: {  	_ =	shalt  }
0x5c: {  	_ =	shalt  }
0x5d: {  	_ =	shalt  }
0x5e: {  	_ =	shalt  }
0x5f: {  	_ =	shalt  }
0x60: {  	_ =	shalt  }
0x61: {  	_ =	shalt  }
0x62: {  	_ =	shalt  }
0x63: {  	_ =	shalt  }
0x64: {  	_ =	shalt  }
0x65: {  	_ =	shalt  }
0x66: {  	_ =	shalt  }
0x67: {  	_ =	shalt  }
0x68: {  	_ =	shalt  }
0x69: {  	_ =	shalt  }
0x6a: {  	_ =	shalt  }
0x6b: {  	_ =	shalt  }
0x6c: {  	_ =	shalt  }
0x6d: {  	_ =	shalt  }
0x6e: {  	_ =	shalt  }
0x6f: {  	_ =	shalt  }
0x70: {  	_ =	shalt  }
0x71: {  	_ =	shalt  }
0x72: {  	_ =	shalt  }
0x73: {  	_ =	shalt  }
0x74: {  	_ =	shalt  }
0x75: {  	_ =	shalt  }
0x76: {  	_ =	shalt  }
0x77: {  	_ =	shalt  }
0x78: {  	_ =	shalt  }
0x79: {  	_ =	shalt  }
0x7a: {  	_ =	shalt  }
0x7b: {  	_ =	shalt  }
0x7c: {  	_ =	shalt  }
0x7d: {  	_ =	shalt  }
0x7e: {  	_ =	shalt  }
0x7f: {  	_ =	shalt  }
0x80: {  	_ =	shalt  }
0x81: {  	_ =	shalt  }
0x82: {  	_ =	shalt  }
0x83: {  	_ =	shalt  }
0x84: {  	_ =	shalt  }
0x85: {  	_ =	shalt  }
0x86: {  	_ =	shalt  }
0x87: {  	_ =	shalt  }
.Lfunc_end0:
.L_simem_size_0:
called_computation_lowered:
.L_overlay_start_0:
0x88: {  	s2 =	sld [smem:$0x3FD9]  }
0x89: {  	s3 =	sld [smem:$0x3FFE];
	_ =	sdelay $0x1  }
0x8a: {  	s1 =	srdreg.scid  }
0x8b: {  	s0 =	sand.u32 $0x1, s1  }
0x8c: {  	s17 =	sshll.u32 s0, $0xA;
	s2 =	sadd.s32 s3, s2  }
0x8d: {  	s2 =	sadd.s32 s2, s17  }
0x8e: {  	[smem:$0x3FBE] =	sst s2  }
0x8f: {  	_ = 	snop  }
0x90: {  	s2 =	sld [smem:$0x3FD0];
	(tm) =	ssettm $0x1  }
0x91: {  	s18 =	sld [smem:$0x3FFB];
	_ =	sdelay $0x3  }
0x92: {  	_ =	strace s18  }
0x93: {  	s3 =	sld [smem:$0x3FFC];
	_ =	sdelay $0x3  }
0x94: {  	_ =	strace s3  }
0x95: {  	s3 =	sld [smem:$0x3FFD];
	_ =	sdelay $0x3  }
0x96: {  	_ =	strace s3  }
0x97: {  	_ =	strace $0x8FFFFFFF  }
0x98: {  	s19 =	sld [smem:$0x3FDB];
	_ =	sdelay $0x1  }
0x99: {  	s4 =	simm.s32 $_scs_section_size  }
0x9a: {  	s5 =	simm.s32 $_size__tile_overlayer_lowered;
	s6 =	simm.s32 $_tile_overlayer_lowered  }
0x9b: {  	s22 =	simm.s32 $0x1BFF;
	s21 =	sshll.u32 s6, $0x1;
	s3 =	sadd.s32 s4, s19  }
0x9c: {  	s7 =	simm.s32 $0x0;
	s20 =	sshll.u32 s5, $0x1;
	s5 =	sadd.s32 s21, s3  }
0x9d: {  	[timem:s7], [sflag:s22] =	dma.local [hbm:s5], s20  }
0x9e: {  	_ =	swait.ge [sflag:s22], s20  }
0x9f: {  	s4 =	ssub.s32 $0x0, s20;
	[sflag:s22] =	ssyncset.done $0x0  }
0xa0: {  	[sflag:s22] =	ssyncadd.s32 s4;
	_ =	sdelay $0x1  }
0xa1: {  	s23 =	simm.s32 $0x1B8B  }
0xa2: {  	_ =	swait.ge [sflag:s23], $0x1  }
0xa3: {  	[sflag:s23] =	ssyncset.done $0x0  }
0xa4: {  	s25 =	simm.s32 $0x1B8E;
	s24 =	sld [smem:$0x3FFE];
	[sflag:s23] =	ssyncadd.s32 $0xFFFFFFFF  }
0xa5: {  	s26 =	simm.s32 $execute0_lowered;
	[smem:$0x3FD2] =	sst s25  }
0xa6: {  	s5 =	sshll.u32 s26, $0x1;
	_ =	strace $0x80000046;
	[dreg:$0x1] =	wrdreg $0xFFFFFFFF  }
0xa7: {  	s28 =	simm.s32 $_size_execute0_lowered;
	s3 =	sadd.s32 s3, s5;
	[dreg:$0x0] =	wrdreg $0x0  }
0xa8: {  	s5 =	sshll.u32 s28, $0x1;
	[dreg:$0x2] =	wrdreg s3  }
0xa9: {  	[dreg:$0x3] =	wrdreg s5  }
0xaa: {  	[dreg:$0x4] =	wrdreg $0xC0  }
0xab: {  	_ =	task [dreg:s7], $0x5FFFF  }
0xac: {  	[dreg:$0x1] =	wrdreg $0xFFFFFFFF  }
0xad: {  	[dreg:$0x0] =	wrdreg $0x60  }
0xae: {  	[dreg:$0x2] =	wrdreg s24  }
0xaf: {  	[dreg:$0x3] =	wrdreg s2  }
0xb0: {  	[dreg:$0x4] =	wrdreg $0xA4000  }
0xb1: {  	[dreg:$0x5] =	wrdreg $0x9  }
0xb2: {  	_ =	task.clear_ibuf [dreg:s7], $0x6FFFF;
	_ =	strace $0x90000046  }
0xb3: {  	s29 =	simm.s32 $0x9;
	_ =	strace $0x80000048  }
0xb4: {  	_ =	swait.ge [sflag:s29], $0x1  }
0xb5: {  	[sflag:s29] =	ssyncadd.s32 $0xFFFFFFFF  }
0xb6: {  	_ =	strace $0x90000048  }
0xb7: {  	_ =	sfence  }
0xb8: {  	s30 =	sld [smem:$0x0];
	_ =	sdelay $0x2  }
0xb9: {  	s31 =	sshll.u32 s1, $0xD;
	s1 =	sshrl.u32 s1, $0x2  }
0xba: {  	s3 =	sand.u32 $0x4000, s31;
	s1 =	sadd.s32 s1, s30  }
0xbb: {  	s0 =	sor.u32 s3, s0;
	s1 =	sshll.u32 s1, $0x11  }
0xbc: {  	s0 =	sor.u32 s1, s0  }
0xbd: {  	s0 =	sadd.s32 $0x8F2B, s0  }
0xbe: {  	[sflag:s0] =	ssyncadd.remote.s32 $0x1  }
0xbf: {  	_ =	sfence.sel $0xFFFF  }
0xc0: {  	[dreg:$0x0] =	wrdreg $0xFFFFFFFF;
	(pc) =	sbr.abs _section_cstart, $3  }
0xc1: {  	[dreg:$0x1] =	wrdreg $0xFFFFFFFF  }
0xc2: {  	_ =	task.clear_ibuf [dreg:s7], $0x2FFFF;
	_ =	strace $0x9FFFFFFF  }
0xc3: {  	(tm) =	ssettm $0x7FFFFFFF  }
tec
execute0_lowered:
.L_overlay_start_1:
0x0: {  	(tag) =	ssettag $0x1  }
0x1: {  	s0 =	rddreg [dreg:$0x0]  }
0x2: {  	s28 =	rddreg [dreg:$0x1]  }
0x3: {  	s2 =	rddreg [dreg:$0x2];
	s1 =	srdreg.scid  }
0x4: {  	s4 =	simm.s32 $0x0;
	s11 =	stileid.u32;
	s31 =	simm.s32 $0x380  }
0x5: {  	s1 =	sand.u32 $0x1, s1;
	[smem:$0x7FF] =	sst s4;
	s7 =	smul.u32 $0x14000, s11  }
0x6: {  	s5 =	sadd.s32 $0xB600, s0;
	s6 =	sadd.s32 $0x1800, s0;
	s24 =	smul.u32 $0x2710, s11  }
0x7: {  	s8 =	sadd.s32 $0x32800, s0;
	s25 =	smul.u32 $0x50000, s11;
	s12 =	sshll.u32 s11, $0x6  }
0x8: {  	s11 =	simm.s32 $0xF;
	s3 =	smul.u32 $0x280000, s1;
	_ =	strace $0x80000047  }
0x9: {  	[dreg:$0x9] =	wrdreg s8;
	s9 =	ssub.s32 $0x2, s1;
	s10 =	smul.u32 $0x27100, s1  }
0xa: {  	s1 =	sxor.u32 $0x1, s1;
	s18 =	sor.u32 $0x1C0F, s12;
	s26 =	sshrl.u32 s9, $0x1  }
0xb: {  	s1 =	smul.u32 $0x27100, s1;
	s8 =	sshrl.u32 s25, $0x2;
	[dreg:$0xc] =	wrdreg s18  }
0xc: {  	s3 =	sadd.s32 s7, s3;
	s30 =	sadd.s32 s24, s10;
	s8 =	sadd.s32 s8, s2  }
0xd: {  	s3 =	sshrl.u32 s3, $0x3;
	[dreg:$0xa] =	wrdreg s8;
	s10 =	sshrl.u32 s30, $0x3  }
0xe: {  	s1 =	sadd.s32 s24, s1;
	s20 =	sadd.s32 $0xF0, s30;
	s23 =	sadd.s32 $0x140, s30  }
0xf: {  	s25 =	sadd.s32 $0x190, s30;
	s0 =	sadd.s32 s3, s0;
	s3 =	ssub.s32 s9, s26  }
0x10: {  	s13 =	sadd.s32 s6, s10;
	s14 =	sshrl.u32 s1, $0x3;
	s21 =	sadd.s32 $0xF0, s1  }
0x11: {  	s22 =	sadd.s32 $0x50, s1;
	[dreg:$0x12] =	wrdreg s23;
	s24 =	sadd.s32 $0x140, s1  }
0x12: {  	s26 =	sadd.s32 $0xA0, s30;
	s1 =	sadd.s32 $0xA0, s1;
	s9 =	simm.s32 $0x2  }
0x13: {  	[dreg:$0xb] =	wrdreg s13;
	s15 =	sadd.s32 $0xA, s13;
	s16 =	sadd.s32 s6, s14  }
0x14: {  	s17 =	sadd.s32 $0x35000, s0;
	s0 =	sadd.s32 $0x5D000, s0;
	[dreg:$0x13] =	wrdreg s24  }
0x15: {  	s19 =	smax.u32 s3, $0x1;
	s3 =	sshrl.u32 s21, $0x3;
	[dreg:$0xd] =	wrdreg s15  }
0x16: {  	s7 =	sshrl.u32 s22, $0x3;
	s30 =	sshrl.u32 s26, $0x3;
	[dreg:$0xe] =	wrdreg s16  }
0x17: {  	s1 =	sshrl.u32 s1, $0x3;
	s26 =	simm.s32 $0x50;
	[dreg:$0xf] =	wrdreg s17  }
0x18: {  	s22 =	simm.s32 $0x2C00;
	s24 =	simm.s32 $0x280;
	[dreg:$0x10] =	wrdreg s0  }
0x19: {  	s13 =	simm.s32 $0x1;
	s14 =	simm.s32 $0x3;
	[dreg:$0x11] =	wrdreg s19  }
0x1a: {  	s0 =	sshrl.u32 s20, $0x3;
	s21 =	sadd.s32 s3, s6;
	s29 =	sadd.s32 s7, s6  }
0x1b: {  	s23 =	sadd.s32 s30, s6;
	s12 =	sadd.s32 s1, s6;
	s15 =	simm.s32 $0xB  }
0x1c: {  	s7 =	simm.s32 $0xD;
	s19 =	simm.s32 $0x4;
	[dreg:$0x4] =	wrdreg s12  }
0x1d: {  	s20 =	simm.s32 $0xE;
	s16 =	simm.s32 $0x6;
	[dreg:$0x6] =	wrdreg s21  }
0x1e: {  	s10 =	sadd.s32 s0, s6;
	s0 =	sshrl.u32 s25, $0x3;
	[dreg:$0x7] =	wrdreg s29  }
0x1f: {  	s3 =	simm.s32 $0x0;
	s8 =	sadd.s32 s0, s6;
	[dreg:$0x5] =	wrdreg s10  }
0x20: {  	s25 =	simm.s32 $0x7C00;
	s0 =	simm.s32 $0xC;
	[dreg:$0x8] =	wrdreg s8  }
.LBB2_1:
0x21: {  	[dreg:$0x14] =	wrdreg s3  }
0x22: {  	s17 =	rddreg [dreg:$0xa]  }
0x23: {  	s30 =	smov.u32 s28;
	s1 =	rddreg [dreg:$0x9];
	s28 =	sshrl.u32 s17, $0x3  }
0x24: {  	[dreg:$0x15] =	wrdreg s28  }
0x25: {  	[spmem:s28], [sflag:s18] =	dma.local [hbm:s1], $0x2800  }
0x26: {  	_ =	swait.ge [sflag:s11], $0x2800  }
0x27: {  	[sflag:s11] =	ssyncset.done $0x0  }
0x28: {  	[sflag:s11] =	ssyncadd.s32 $0xFFFFD800  }
0x29: {  	[bflag:$0x0] =	sbarrier.arrive $0xFFFF  }
0x2a: {  	s18 =	rddreg [dreg:$0xb]  }
0x2b: {  	[tilespmem:s4], [sflag:$0xB] =	stream.linear.gather [hbm4b:s18+s4], $0x50, $0x38;
	[tilespmem:$0x1E400] =	vst v63  }
0x2c: {  	_ =	swait.ge [sflag:s15], $0x50  }
0x2d: {  	[sflag:s15] =	ssyncset.done $0x0  }
0x2e: {  	s1 =	simm.s32 $0x400;
	[sflag:s15] =	ssyncadd.s32 $0xFFFFFFB0  }
0x2f: {  	[tilespmem:s1], [sflag:$0x1] =	stream.indirect.gather [hbm4b:s5+s26], $0x80, s4, s26, $0xb8;
	[tilespmem:$0x1E400] =	vst v63  }
0x30: {  	s28 =	rddreg [dreg:$0xd];
	s1 =	simm.s32 $0x80  }
0x31: {  	[tilespmem:s1], [sflag:$0xC] =	stream.linear.gather [hbm4b:s28+s4], $0x50, $0x38;
	[tilespmem:$0x1E400] =	vst v63  }
0x32: {  	p0 =	por $0x1, $0x1;
	s11 =	rddreg [dreg:$0xe];
	s28 =	simm.s32 $0x200  }
0x33: {  	[tilespmem:s28], [sflag:$0x3] =	stream.linear.gather [hbm4b:s11+s4], $0x50, $0x38;
	[tilespmem:$0x1E400] =	vst v63  }
0x34: {  	s17 =	simm.s32 @!p0 $0x8;
	s18 =	sadd.s32 $0x0, s23;
	s11 =	simm.s32 $0x100  }
0x35: {  	[tilespmem:s11], [sflag:$0xD] =	stream.linear.gather [hbm4b:s18+s4], $0x50, $0x38;
	[tilespmem:$0x1E400] =	vst v63  }
0x36: {  	_ =	swait.ge @!p0 [sflag:s17], $0x2800  }
0x37: {  	[sflag:s17] =	ssyncset.done @!p0 $0x0  }
0x38: {  	[sflag:s17] =	ssyncadd.s32 @!p0 $0xFFFFD800  }
0x39: {  	_ =	swait.ge [sflag:s0], $0x50  }
0x3a: {  	[sflag:s0] =	ssyncset.done $0x0  }
0x3b: {  	[sflag:s0] =	ssyncadd.s32 $0xFFFFFFB0  }
0x3c: {  	[tilespmem:s22], [sflag:$0x2] =	stream.indirect.gather [hbm4b:s5+s26], $0x80, s1, s26, $0xb8;
	[tilespmem:$0x1E400] =	vst v63  }
0x3d: {  	s1 =	sadd.s32 $0x0, s29  }
0x3e: {  	[tilespmem:s24], [sflag:$0x4] =	stream.linear.gather [hbm4b:s1+s4], $0x50, $0x38;
	[tilespmem:$0x1E400] =	vst v63  }
0x3f: {  	_ =	swait.ge [sflag:s13], $0x2800  }
0x40: {  	[sflag:s13] =	ssyncset.done $0x0  }
0x41: {  	[sflag:s13] =	ssyncadd.s32 $0xFFFFD800  }
0x42: {  	_ =	swait.ge [sflag:s14], $0x50  }
0x43: {  	[sflag:s14] =	ssyncset.done $0x0  }
0x44: {  	s3 =	simm.s32 $0x400;
	[sflag:s14] =	ssyncadd.s32 $0xFFFFFFB0  }
0x45: {  	[spmem:s2] =	stream.indirect.scatter.add.f32 [tilespmem:s3], [sflag:$0x7], $0x80, s28, s26, $0xb8;
	[tilespmem:$0x1E400] =	vst v63  }
0x46: {  	s10 =	sadd.s32 $0x0, s10;
	s18 =	simm.s32 @!p0 $0x9;
	s3 =	simm.s32 $0x180  }
0x47: {  	[tilespmem:s3], [sflag:$0xE] =	stream.linear.gather [hbm4b:s10+s4], $0x50, $0x38;
	[tilespmem:$0x1E400] =	vst v63  }
0x48: {  	_ =	swait.ge @!p0 [sflag:s18], $0x2800  }
0x49: {  	[sflag:s18] =	ssyncset.done @!p0 $0x0  }
0x4a: {  	[sflag:s18] =	ssyncadd.s32 @!p0 $0xFFFFD800  }
0x4b: {  	_ =	swait.ge [sflag:s7], $0x50  }
0x4c: {  	[sflag:s7] =	ssyncset.done $0x0  }
0x4d: {  	s18 =	simm.s32 $0x5400;
	[sflag:s7] =	ssyncadd.s32 $0xFFFFFFB0  }
0x4e: {  	[tilespmem:s18], [sflag:$0x1] =	stream.indirect.gather [hbm4b:s5+s26], $0x80, s11, s26, $0xb8;
	[tilespmem:$0x1E400] =	vst v63  }
0x4f: {  	s22 =	sadd.s32 $0x0, s12;
	s11 =	simm.s32 $0x300  }
0x50: {  	[tilespmem:s11], [sflag:$0x5] =	stream.linear.gather [hbm4b:s22+s4], $0x50, $0x38;
	[tilespmem:$0x1E400] =	vst v63  }
0x51: {  	_ =	swait.ge [sflag:s9], $0x2800  }
0x52: {  	[sflag:s9] =	ssyncset.done $0x0  }
0x53: {  	[sflag:s9] =	ssyncadd.s32 $0xFFFFD800  }
0x54: {  	_ =	swait.ge [sflag:s19], $0x50  }
0x55: {  	[sflag:s19] =	ssyncset.done $0x0;
	s22 =	rddreg [dreg:$0x12]  }
0x56: {  	s1 =	simm.s32 $0x2C00;
	[sflag:s19] =	ssyncadd.s32 $0xFFFFFFB0;
	s7 =	sshrl.u32 s22, $0x3  }
0x57: {  	[spmem:s2] =	stream.indirect.scatter.add.f32 [tilespmem:s1], [sflag:$0x8], $0x80, s24, s26, $0xb8;
	[tilespmem:$0x1E400] =	vst v63  }
0x58: {  	s10 =	sadd.s32 s6, s7  }
0x59: {  	s17 =	simm.s32 @!p0 $0xA;
	[dreg:$0x16] =	wrdreg s10  }
0x5a: {  	[tilespmem:s4], [sflag:$0xB] =	stream.linear.gather [hbm4b:s10+s4], $0x50, $0x38;
	[tilespmem:$0x1E400] =	vst v63  }
0x5b: {  	_ =	swait.ge @!p0 [sflag:s17], $0x2800  }
0x5c: {  	[sflag:s17] =	ssyncset.done @!p0 $0x0  }
0x5d: {  	[sflag:s17] =	ssyncadd.s32 @!p0 $0xFFFFD800  }
0x5e: {  	_ =	swait.ge [sflag:s20], $0x50  }
0x5f: {  	[sflag:s20] =	ssyncset.done $0x0  }
0x60: {  	[sflag:s20] =	ssyncadd.s32 $0xFFFFFFB0  }
0x61: {  	[tilespmem:s25], [sflag:$0x2] =	stream.indirect.gather [hbm4b:s5+s26], $0x80, s3, s26, $0xb8;
	[tilespmem:$0x1E400] =	vst v63  }
0x62: {  	s12 =	sadd.s32 $0x0, s21  }
0x63: {  	[tilespmem:s31], [sflag:$0x6] =	stream.linear.gather [hbm4b:s12+s4], $0x50, $0x38;
	[tilespmem:$0x1E400] =	vst v63  }
0x64: {  	_ =	swait.ge [sflag:s13], $0x2800  }
0x65: {  	[sflag:s13] =	ssyncset.done $0x0  }
0x66: {  	s17 =	simm.s32 $0x5;
	[sflag:s13] =	ssyncadd.s32 $0xFFFFD800  }
0x67: {  	_ =	swait.ge [sflag:s17], $0x50  }
0x68: {  	[sflag:s17] =	ssyncset.done $0x0  }
0x69: {  	s19 =	simm.s32 $0x7;
	p0 =	por $0x0, $0x0;
	[sflag:s17] =	ssyncadd.s32 $0xFFFFFFB0  }
0x6a: {  	[spmem:s2] =	stream.indirect.scatter.add.f32 [tilespmem:s18], [sflag:$0x9], $0x80, s11, s26, $0xb8;
	[tilespmem:$0x1E400] =	vst v63  }
0x6b: {  	s21 =	simm.s32 @!p0 $0x80;
	s17 =	sadd.s32 @!p0 $0x0, s8;
	s18 =	simm.s32 @!p0 $0x0  }
0x6c: {  	[tilespmem:s21], [sflag:$0xC] =	stream.linear.gather @!p0 [hbm4b:s17+s18], $0x50, $0x38;
	[tilespmem:$0x1E400] =	vst v63  }
0x6d: {  	_ =	swait.ge [sflag:s19], $0x2800  }
0x6e: {  	[sflag:s19] =	ssyncset.done $0x0  }
0x6f: {  	[sflag:s19] =	ssyncadd.s32 $0xFFFFD800  }
0x70: {  	_ =	swait.ge [sflag:s15], $0x50  }
0x71: {  	[sflag:s15] =	ssyncset.done $0x0;
	s20 =	rddreg [dreg:$0x13]  }
0x72: {  	s29 =	simm.s32 $0x400;
	[sflag:s15] =	ssyncadd.s32 $0xFFFFFFB0;
	s25 =	sshrl.u32 s20, $0x3  }
0x73: {  	[tilespmem:s29], [sflag:$0x1] =	stream.indirect.gather [hbm4b:s5+s26], $0x80, s4, s26, $0xb8;
	[tilespmem:$0x1E400] =	vst v63  }
0x74: {  	s31 =	sadd.s32 s6, s25  }
0x75: {  	[dreg:$0x17] =	wrdreg s31  }
0x76: {  	[tilespmem:s28], [sflag:$0x3] =	stream.linear.gather [hbm4b:s31+s4], $0x50, $0x38;
	[tilespmem:$0x1E400] =	vst v63  }
0x77: {  	_ =	swait.ge [sflag:s9], $0x2800  }
0x78: {  	[sflag:s9] =	ssyncset.done $0x0  }
0x79: {  	s3 =	simm.s32 $0x100;
	[sflag:s9] =	ssyncadd.s32 $0xFFFFD800  }
0x7a: {  	s17 =	simm.s32 $0x28;
	s18 =	sadd.s32 $0x140, s22;
	_ =	swait.ge [sflag:s16], $0x50  }
0x7b: {  	s19 =	simm.s32 $0xD;
	s21 =	sadd.s32 $0x140, s20;
	[sflag:s16] =	ssyncset.done $0x0  }
0x7c: {  	s20 =	simm.s32 $0x4;
	s29 =	simm.s32 $0xE;
	[sflag:s16] =	ssyncadd.s32 $0xFFFFFFB0  }
.LBB2_2:
0x7d: {  	s25 =	simm.s32 $0x7C00;
	s31 =	simm.s32 $0x380;
	s22 =	smov.u32 s17  }
0x7e: {  	[spmem:s2] =	stream.indirect.scatter.add.f32 [tilespmem:s25], [sflag:$0xA], $0x80, s31, s26, $0xb8;
	[tilespmem:$0x1E400] =	vst v63  }
0x7f: {  	p1 =	seq.s32 s22, $0x0  }
0x80: {  	s11 =	smov.u32 s23;
	s15 =	sadd.s32 s22, s23;
	s23 =	simm.s32 @!p1 $0x8  }
0x81: {  	[tilespmem:s3], [sflag:$0xD] =	stream.linear.gather [hbm4b:s15+s4], $0x50, $0x38;
	[tilespmem:$0x1E400] =	vst v63  }
0x82: {  	_ =	swait.ge @!p1 [sflag:s23], $0x2800  }
0x83: {  	[sflag:s23] =	ssyncset.done @!p1 $0x0  }
0x84: {  	[sflag:s23] =	ssyncadd.s32 @!p1 $0xFFFFD800  }
0x85: {  	_ =	swait.ge [sflag:s0], $0x50  }
0x86: {  	s7 =	simm.s32 $0x2C00;
	[sflag:s0] =	ssyncset.done $0x0  }
0x87: {  	s23 =	simm.s32 $0x80;
	s28 =	rddreg [dreg:$0x7];
	[sflag:s0] =	ssyncadd.s32 $0xFFFFFFB0  }
0x88: {  	[tilespmem:s7], [sflag:$0x2] =	stream.indirect.gather [hbm4b:s5+s26], $0x80, s23, s26, $0xb8;
	[tilespmem:$0x1E400] =	vst v63  }
0x89: {  	s1 =	sadd.s32 s22, s28  }
0x8a: {  	[tilespmem:s24], [sflag:$0x4] =	stream.linear.gather [hbm4b:s1+s4], $0x50, $0x38;
	[tilespmem:$0x1E400] =	vst v63  }
0x8b: {  	_ =	swait.ge [sflag:s13], $0x2800  }
0x8c: {  	[sflag:s13] =	ssyncset.done $0x0  }
0x8d: {  	[sflag:s13] =	ssyncadd.s32 $0xFFFFD800  }
0x8e: {  	_ =	swait.ge [sflag:s14], $0x50  }
0x8f: {  	s10 =	simm.s32 $0x400;
	[sflag:s14] =	ssyncset.done $0x0  }
0x90: {  	s24 =	simm.s32 $0x200;
	s8 =	rddreg [dreg:$0x5];
	[sflag:s14] =	ssyncadd.s32 $0xFFFFFFB0  }
0x91: {  	[spmem:s2] =	stream.indirect.scatter.add.f32 [tilespmem:s10], [sflag:$0x7], $0x80, s24, s26, $0xb8;
	[tilespmem:$0x1E400] =	vst v63  }
0x92: {  	s28 =	simm.s32 @!p1 $0x9;
	s15 =	sadd.s32 s22, s8;
	s8 =	simm.s32 $0x180  }
0x93: {  	[tilespmem:s8], [sflag:$0xE] =	stream.linear.gather [hbm4b:s15+s4], $0x50, $0x38;
	[tilespmem:$0x1E400] =	vst v63  }
0x94: {  	_ =	swait.ge @!p1 [sflag:s28], $0x2800  }
0x95: {  	[sflag:s28] =	ssyncset.done @!p1 $0x0  }
0x96: {  	[sflag:s28] =	ssyncadd.s32 @!p1 $0xFFFFD800  }
0x97: {  	_ =	swait.ge [sflag:s19], $0x50  }
0x98: {  	[sflag:s19] =	ssyncset.done $0x0  }
0x99: {  	s15 =	simm.s32 $0x5400;
	s23 =	rddreg [dreg:$0x4];
	[sflag:s19] =	ssyncadd.s32 $0xFFFFFFB0  }
0x9a: {  	[tilespmem:s15], [sflag:$0x1] =	stream.indirect.gather [hbm4b:s5+s26], $0x80, s3, s26, $0xb8;
	[tilespmem:$0x1E400] =	vst v63  }
0x9b: {  	s0 =	simm.s32 $0x300;
	s28 =	sadd.s32 s22, s23  }
0x9c: {  	[tilespmem:s0], [sflag:$0x5] =	stream.linear.gather [hbm4b:s28+s4], $0x50, $0x38;
	[tilespmem:$0x1E400] =	vst v63  }
0x9d: {  	_ =	swait.ge [sflag:s9], $0x2800  }
0x9e: {  	[sflag:s9] =	ssyncset.done $0x0  }
0x9f: {  	[sflag:s9] =	ssyncadd.s32 $0xFFFFD800  }
0xa0: {  	_ =	swait.ge [sflag:s20], $0x50  }
0xa1: {  	[sflag:s20] =	ssyncset.done $0x0  }
0xa2: {  	s12 =	simm.s32 $0x280;
	s1 =	sshrl.u32 s18, $0x3;
	[sflag:s20] =	ssyncadd.s32 $0xFFFFFFB0  }
0xa3: {  	[spmem:s2] =	stream.indirect.scatter.add.f32 [tilespmem:s7], [sflag:$0x8], $0x80, s12, s26, $0xb8;
	[tilespmem:$0x1E400] =	vst v63  }
0xa4: {  	s23 =	sadd.s32 s6, s1;
	s28 =	simm.s32 @!p1 $0xA  }
0xa5: {  	[tilespmem:s4], [sflag:$0xB] =	stream.linear.gather [hbm4b:s23+s4], $0x50, $0x38;
	[tilespmem:$0x1E400] =	vst v63  }
0xa6: {  	_ =	swait.ge @!p1 [sflag:s28], $0x2800  }
0xa7: {  	[sflag:s28] =	ssyncset.done @!p1 $0x0  }
0xa8: {  	[sflag:s28] =	ssyncadd.s32 @!p1 $0xFFFFD800  }
0xa9: {  	_ =	swait.ge [sflag:s29], $0x50  }
0xaa: {  	[sflag:s29] =	ssyncset.done $0x0  }
0xab: {  	s23 =	rddreg [dreg:$0x6];
	[sflag:s29] =	ssyncadd.s32 $0xFFFFFFB0  }
0xac: {  	[tilespmem:s25], [sflag:$0x2] =	stream.indirect.gather [hbm4b:s5+s26], $0x80, s8, s26, $0xb8;
	[tilespmem:$0x1E400] =	vst v63  }
0xad: {  	s25 =	sadd.s32 s22, s23  }
0xae: {  	[tilespmem:s31], [sflag:$0x6] =	stream.linear.gather [hbm4b:s25+s4], $0x50, $0x38;
	[tilespmem:$0x1E400] =	vst v63  }
0xaf: {  	_ =	swait.ge [sflag:s13], $0x2800  }
0xb0: {  	[sflag:s13] =	ssyncset.done $0x0  }
0xb1: {  	s1 =	simm.s32 $0x5;
	[sflag:s13] =	ssyncadd.s32 $0xFFFFD800  }
0xb2: {  	_ =	swait.ge [sflag:s1], $0x50  }
0xb3: {  	[sflag:s1] =	ssyncset.done $0x0  }
0xb4: {  	p1 =	seq.s32 s22, $0x4B0;
	s7 =	rddreg [dreg:$0x8];
	[sflag:s1] =	ssyncadd.s32 $0xFFFFFFB0  }
0xb5: {  	[spmem:s2] =	stream.indirect.scatter.add.f32 [tilespmem:s15], [sflag:$0x9], $0x80, s0, s26, $0xb8;
	[tilespmem:$0x1E400] =	vst v63  }
0xb6: {  	s28 =	simm.s32 @!p1 $0x80;
	s23 =	simm.s32 @!p1 $0x0;
	s22 =	sadd.s32 @!p1 s22, s7  }
0xb7: {  	[tilespmem:s28], [sflag:$0xC] =	stream.linear.gather @!p1 [hbm4b:s22+s23], $0x50, $0x38;
	[tilespmem:$0x1E400] =	vst v63  }
0xb8: {  	s28 =	simm.s32 $0x7  }
0xb9: {  	_ =	swait.ge [sflag:s28], $0x2800  }
0xba: {  	[sflag:s28] =	ssyncset.done $0x0  }
0xbb: {  	s15 =	simm.s32 $0xB;
	[sflag:s28] =	ssyncadd.s32 $0xFFFFD800  }
0xbc: {  	_ =	swait.ge [sflag:s15], $0x50  }
0xbd: {  	[sflag:s15] =	ssyncset.done $0x0  }
0xbe: {  	s31 =	sshrl.u32 s21, $0x3;
	[sflag:s15] =	ssyncadd.s32 $0xFFFFFFB0  }
0xbf: {  	[tilespmem:s10], [sflag:$0x1] =	stream.indirect.gather [hbm4b:s5+s26], $0x80, s4, s26, $0xb8;
	[tilespmem:$0x1E400] =	vst v63  }
0xc0: {  	s17 =	sadd.s32 $0x28, s17;
	s22 =	sadd.s32 s6, s31  }
0xc1: {  	[tilespmem:s24], [sflag:$0x3] =	stream.linear.gather [hbm4b:s22+s4], $0x50, $0x38;
	[tilespmem:$0x1E400] =	vst v63  }
0xc2: {  	p0 =	sne.s32 s17, $0x4D8;
	_ =	swait.ge [sflag:s9], $0x2800  }
.Ltmp0:
0xc3: {  	[sflag:s9] =	ssyncset.done $0x0;
	(pc) =	sbr.rel @p0 .LBB2_2-.Ltmp0, $4  }
0xc4: {  	[sflag:s9] =	ssyncadd.s32 $0xFFFFD800  }
0xc5: {  	s18 =	sadd.s32 $0x140, s18;
	_ =	swait.ge [sflag:s16], $0x50  }
0xc6: {  	s21 =	sadd.s32 $0x140, s21;
	s0 =	simm.s32 $0xC;
	[sflag:s16] =	ssyncset.done $0x0  }
0xc7: {  	s23 =	smov.u32 s11;
	s24 =	simm.s32 $0x280;
	[sflag:s16] =	ssyncadd.s32 $0xFFFFFFB0  }
0xc8: {  	s10 =	simm.s32 $0x7C00;
	s8 =	simm.s32 $0x380  }
0xc9: {  	[spmem:s2] =	stream.indirect.scatter.add.f32 [tilespmem:s10], [sflag:$0xA], $0x80, s8, s26, $0xb8;
	[tilespmem:$0x1E400] =	vst v63  }
0xca: {  	_ =	swait.ge [sflag:s13], $0x2800  }
0xcb: {  	[sflag:s13] =	ssyncset.done $0x0  }
0xcc: {  	[sflag:s13] =	ssyncadd.s32 $0xFFFFD800  }
0xcd: {  	_ =	swait.ge [sflag:s14], $0x50  }
0xce: {  	s22 =	simm.s32 $0x400;
	[sflag:s14] =	ssyncset.done $0x0  }
0xcf: {  	s3 =	simm.s32 $0x200;
	s12 =	simm.s32 $0x8;
	[sflag:s14] =	ssyncadd.s32 $0xFFFFFFB0  }
0xd0: {  	[spmem:s2] =	stream.indirect.scatter.add.f32 [tilespmem:s22], [sflag:$0x7], $0x80, s3, s26, $0xb8;
	[tilespmem:$0x1E400] =	vst v63  }
0xd1: {  	_ =	swait.ge [sflag:s12], $0x2800  }
0xd2: {  	[sflag:s12] =	ssyncset.done $0x0  }
0xd3: {  	s21 =	simm.s32 $0x9;
	[sflag:s12] =	ssyncadd.s32 $0xFFFFD800  }
0xd4: {  	_ =	swait.ge [sflag:s21], $0x2800  }
0xd5: {  	[sflag:s21] =	ssyncset.done $0x0  }
0xd6: {  	s25 =	simm.s32 $0xA;
	[sflag:s21] =	ssyncadd.s32 $0xFFFFD800  }
0xd7: {  	_ =	swait.ge [sflag:s25], $0x2800  }
0xd8: {  	[sflag:s25] =	ssyncset.done $0x0  }
0xd9: {  	[sflag:s25] =	ssyncadd.s32 $0xFFFFD800;
	s25 =	simm.s32 $0x7  }
0xda: {  	_ =	swait.ge [sflag:s25], $0x2800  }
0xdb: {  	[sflag:s25] =	ssyncset.done $0x0  }
0xdc: {  	[sflag:s25] =	ssyncadd.s32 $0xFFFFD800  }
0xdd: {  	[bflag:$0x0] =	sbarrier.arrive $0xFFFF  }
0xde: {  	s18 =	rddreg [dreg:$0xc]  }
0xdf: {  	s17 =	rddreg [dreg:$0xf]  }
0xe0: {  	s21 =	simm.s32 $0xF;
	s12 =	rddreg [dreg:$0x15]  }
0xe1: {  	[hbm:s17], [sflag:s18] =	dma.local [spmem:s12], $0x2800  }
0xe2: {  	_ =	swait.ge [sflag:s21], $0x2800  }
0xe3: {  	[sflag:s21] =	ssyncset.done $0x0  }
0xe4: {  	s7 =	rddreg [dreg:$0x9];
	[sflag:s21] =	ssyncadd.s32 $0xFFFFD800  }
0xe5: {  	[spmem:s12], [sflag:s18] =	dma.local [hbm:s7], $0x2800  }
0xe6: {  	_ =	swait.ge [sflag:s21], $0x2800  }
0xe7: {  	[sflag:s21] =	ssyncset.done $0x0  }
0xe8: {  	[sflag:s21] =	ssyncadd.s32 $0xFFFFD800  }
0xe9: {  	[bflag:$0x0] =	sbarrier.arrive $0xFFFF  }
0xea: {  	s17 =	simm.s32 $0x0;
	s21 =	rddreg [dreg:$0xb]  }
0xeb: {  	[tilespmem:s17], [sflag:$0xB] =	stream.linear.gather [hbm4b:s21+s17], $0x50, $0x38;
	[tilespmem:$0x1E400] =	vst v63  }
0xec: {  	_ =	swait.ge [sflag:s15], $0x50  }
0xed: {  	[sflag:s15] =	ssyncset.done $0x0  }
0xee: {  	[sflag:s15] =	ssyncadd.s32 $0xFFFFFFB0  }
0xef: {  	[tilespmem:s22], [sflag:$0x1] =	stream.indirect.gather [hbm4b:s30+s26], $0x80, s17, s26, $0xb8;
	[tilespmem:$0x1E400] =	vst v63  }
0xf0: {  	s12 =	simm.s32 $0x80;
	s7 =	rddreg [dreg:$0xd]  }
0xf1: {  	[tilespmem:s12], [sflag:$0xC] =	stream.linear.gather [hbm4b:s7+s17], $0x50, $0x38;
	[tilespmem:$0x1E400] =	vst v63  }
0xf2: {  	p0 =	por $0x1, $0x1;
	s15 =	rddreg [dreg:$0xe]  }
0xf3: {  	[tilespmem:s3], [sflag:$0x3] =	stream.linear.gather [hbm4b:s15+s17], $0x50, $0x38;
	[tilespmem:$0x1E400] =	vst v63  }
0xf4: {  	s31 =	simm.s32 $0x100;
	s21 =	sadd.s32 $0x0, s23;
	s17 =	simm.s32 @!p0 $0x8  }
0xf5: {  	[tilespmem:s31], [sflag:$0xD] =	stream.linear.gather [hbm4b:s21+s4], $0x50, $0x38;
	[tilespmem:$0x1E400] =	vst v63  }
0xf6: {  	_ =	swait.ge @!p0 [sflag:s17], $0x2800  }
0xf7: {  	[sflag:s17] =	ssyncset.done @!p0 $0x0  }
0xf8: {  	[sflag:s17] =	ssyncadd.s32 @!p0 $0xFFFFD800  }
0xf9: {  	_ =	swait.ge [sflag:s0], $0x50  }
0xfa: {  	[sflag:s0] =	ssyncset.done $0x0  }
0xfb: {  	s7 =	simm.s32 $0x2C00;
	s23 =	rddreg [dreg:$0x7];
	[sflag:s0] =	ssyncadd.s32 $0xFFFFFFB0  }
0xfc: {  	[tilespmem:s7], [sflag:$0x2] =	stream.indirect.gather [hbm4b:s30+s26], $0x80, s12, s26, $0xb8;
	[tilespmem:$0x1E400] =	vst v63  }
0xfd: {  	s12 =	sadd.s32 $0x0, s23  }
0xfe: {  	[tilespmem:s24], [sflag:$0x4] =	stream.linear.gather [hbm4b:s12+s4], $0x50, $0x38;
	[tilespmem:$0x1E400] =	vst v63  }
0xff: {  	_ =	swait.ge [sflag:s13], $0x2800  }
0x100: {  	[sflag:s13] =	ssyncset.done $0x0  }
0x101: {  	[sflag:s13] =	ssyncadd.s32 $0xFFFFD800  }
0x102: {  	_ =	swait.ge [sflag:s14], $0x50  }
0x103: {  	[sflag:s14] =	ssyncset.done $0x0  }
0x104: {  	[sflag:s14] =	ssyncadd.s32 $0xFFFFFFB0;
	s14 =	rddreg [dreg:$0x5]  }
0x105: {  	[spmem:s2] =	stream.indirect.scatter.add.f32 [tilespmem:s22], [sflag:$0x7], $0x80, s3, s26, $0xb8;
	[tilespmem:$0x1E400] =	vst v63  }
0x106: {  	s18 =	simm.s32 @!p0 $0x9;
	s12 =	simm.s32 $0x180;
	s15 =	sadd.s32 $0x0, s14  }
0x107: {  	[tilespmem:s12], [sflag:$0xE] =	stream.linear.gather [hbm4b:s15+s4], $0x50, $0x38;
	[tilespmem:$0x1E400] =	vst v63  }
0x108: {  	_ =	swait.ge @!p0 [sflag:s18], $0x2800  }
0x109: {  	[sflag:s18] =	ssyncset.done @!p0 $0x0  }
0x10a: {  	[sflag:s18] =	ssyncadd.s32 @!p0 $0xFFFFD800  }
0x10b: {  	_ =	swait.ge [sflag:s19], $0x50  }
0x10c: {  	[sflag:s19] =	ssyncset.done $0x0  }
0x10d: {  	s15 =	simm.s32 $0x5400;
	s18 =	rddreg [dreg:$0x4];
	[sflag:s19] =	ssyncadd.s32 $0xFFFFFFB0  }
0x10e: {  	[tilespmem:s15], [sflag:$0x1] =	stream.indirect.gather [hbm4b:s30+s26], $0x80, s31, s26, $0xb8;
	[tilespmem:$0x1E400] =	vst v63  }
0x10f: {  	s23 =	simm.s32 $0x300;
	s21 =	sadd.s32 $0x0, s18  }
0x110: {  	[tilespmem:s23], [sflag:$0x5] =	stream.linear.gather [hbm4b:s21+s4], $0x50, $0x38;
	[tilespmem:$0x1E400] =	vst v63  }
0x111: {  	_ =	swait.ge [sflag:s9], $0x2800  }
0x112: {  	[sflag:s9] =	ssyncset.done $0x0  }
0x113: {  	[sflag:s9] =	ssyncadd.s32 $0xFFFFD800  }
0x114: {  	_ =	swait.ge [sflag:s20], $0x50  }
0x115: {  	[sflag:s20] =	ssyncset.done $0x0  }
0x116: {  	[sflag:s20] =	ssyncadd.s32 $0xFFFFFFB0  }
0x117: {  	[spmem:s2] =	stream.indirect.scatter.add.f32 [tilespmem:s7], [sflag:$0x8], $0x80, s24, s26, $0xb8;
	[tilespmem:$0x1E400] =	vst v63  }
0x118: {  	s17 =	simm.s32 @!p0 $0xA;
	s31 =	rddreg [dreg:$0x16]  }
0x119: {  	[tilespmem:s4], [sflag:$0xB] =	stream.linear.gather [hbm4b:s31+s4], $0x50, $0x38;
	[tilespmem:$0x1E400] =	vst v63  }
0x11a: {  	_ =	swait.ge @!p0 [sflag:s17], $0x2800  }
0x11b: {  	[sflag:s17] =	ssyncset.done @!p0 $0x0  }
0x11c: {  	[sflag:s17] =	ssyncadd.s32 @!p0 $0xFFFFD800  }
0x11d: {  	_ =	swait.ge [sflag:s29], $0x50  }
0x11e: {  	[sflag:s29] =	ssyncset.done $0x0  }
0x11f: {  	s18 =	rddreg [dreg:$0x6];
	[sflag:s29] =	ssyncadd.s32 $0xFFFFFFB0  }
0x120: {  	[tilespmem:s10], [sflag:$0x2] =	stream.indirect.gather [hbm4b:s30+s26], $0x80, s12, s26, $0xb8;
	[tilespmem:$0x1E400] =	vst v63  }
0x121: {  	s21 =	sadd.s32 $0x0, s18  }
0x122: {  	[tilespmem:s8], [sflag:$0x6] =	stream.linear.gather [hbm4b:s21+s4], $0x50, $0x38;
	[tilespmem:$0x1E400] =	vst v63  }
0x123: {  	_ =	swait.ge [sflag:s13], $0x2800  }
0x124: {  	[sflag:s13] =	ssyncset.done $0x0  }
0x125: {  	[sflag:s13] =	ssyncadd.s32 $0xFFFFD800  }
0x126: {  	_ =	swait.ge [sflag:s1], $0x50  }
0x127: {  	[sflag:s1] =	ssyncset.done $0x0  }
0x128: {  	p0 =	por $0x0, $0x0;
	s0 =	rddreg [dreg:$0x8];
	[sflag:s1] =	ssyncadd.s32 $0xFFFFFFB0  }
0x129: {  	[spmem:s2] =	stream.indirect.scatter.add.f32 [tilespmem:s15], [sflag:$0x9], $0x80, s23, s26, $0xb8;
	[tilespmem:$0x1E400] =	vst v63  }
0x12a: {  	s18 =	simm.s32 @!p0 $0x0;
	s21 =	simm.s32 @!p0 $0x80;
	s17 =	sadd.s32 @!p0 $0x0, s0  }
0x12b: {  	[tilespmem:s21], [sflag:$0xC] =	stream.linear.gather @!p0 [hbm4b:s17+s18], $0x50, $0x38;
	[tilespmem:$0x1E400] =	vst v63  }
0x12c: {  	_ =	swait.ge [sflag:s25], $0x2800  }
0x12d: {  	[sflag:s25] =	ssyncset.done $0x0  }
0x12e: {  	s23 =	simm.s32 $0xB;
	[sflag:s25] =	ssyncadd.s32 $0xFFFFD800  }
0x12f: {  	_ =	swait.ge [sflag:s23], $0x50  }
0x130: {  	[sflag:s23] =	ssyncset.done $0x0  }
0x131: {  	[sflag:s23] =	ssyncadd.s32 $0xFFFFFFB0  }
0x132: {  	[tilespmem:s22], [sflag:$0x1] =	stream.indirect.gather [hbm4b:s30+s26], $0x80, s4, s26, $0xb8;
	[tilespmem:$0x1E400] =	vst v63  }
0x133: {  	s24 =	rddreg [dreg:$0x17]  }
0x134: {  	[tilespmem:s3], [sflag:$0x3] =	stream.linear.gather [hbm4b:s24+s4], $0x50, $0x38;
	[tilespmem:$0x1E400] =	vst v63  }
0x135: {  	_ =	swait.ge [sflag:s9], $0x2800  }
0x136: {  	[sflag:s9] =	ssyncset.done $0x0  }
0x137: {  	[sflag:s9] =	ssyncadd.s32 $0xFFFFD800  }
0x138: {  	s28 =	smov.u32 s30;
	s14 =	simm.s32 $0xC;
	_ =	swait.ge [sflag:s16], $0x50  }
0x139: {  	s12 =	simm.s32 $0x280;
	s1 =	simm.s32 $0x5;
	s25 =	rddreg [dreg:$0x12]  }
0x13a: {  	s17 =	simm.s32 $0x28;
	[sflag:s16] =	ssyncset.done $0x0;
	s31 =	rddreg [dreg:$0x13]  }
0x13b: {  	[sflag:s16] =	ssyncadd.s32 $0xFFFFFFB0;
	s18 =	sadd.s32 $0x140, s25;
	s21 =	sadd.s32 $0x140, s31  }
.LBB2_4:
0x13c: {  	s24 =	simm.s32 $0x7C00;
	s8 =	simm.s32 $0x380;
	s22 =	smov.u32 s17  }
0x13d: {  	[spmem:s2] =	stream.indirect.scatter.add.f32 [tilespmem:s24], [sflag:$0xA], $0x80, s8, s26, $0xb8;
	[tilespmem:$0x1E400] =	vst v63  }
0x13e: {  	s25 =	simm.s32 $0x100;
	s23 =	sadd.s32 s22, s11;
	p1 =	seq.s32 s22, $0x0  }
0x13f: {  	[tilespmem:s25], [sflag:$0xD] =	stream.linear.gather [hbm4b:s23+s4], $0x50, $0x38;
	[tilespmem:$0x1E400] =	vst v63  }
0x140: {  	s23 =	simm.s32 @!p1 $0x8  }
0x141: {  	_ =	swait.ge @!p1 [sflag:s23], $0x2800  }
0x142: {  	[sflag:s23] =	ssyncset.done @!p1 $0x0  }
0x143: {  	[sflag:s23] =	ssyncadd.s32 @!p1 $0xFFFFD800  }
0x144: {  	_ =	swait.ge [sflag:s14], $0x50  }
0x145: {  	s7 =	simm.s32 $0x2C00;
	[sflag:s14] =	ssyncset.done $0x0  }
0x146: {  	s0 =	simm.s32 $0x80;
	s3 =	rddreg [dreg:$0x7];
	[sflag:s14] =	ssyncadd.s32 $0xFFFFFFB0  }
0x147: {  	[tilespmem:s7], [sflag:$0x2] =	stream.indirect.gather [hbm4b:s28+s26], $0x80, s0, s26, $0xb8;
	[tilespmem:$0x1E400] =	vst v63  }
0x148: {  	s10 =	sadd.s32 s22, s3  }
0x149: {  	[tilespmem:s12], [sflag:$0x4] =	stream.linear.gather [hbm4b:s10+s4], $0x50, $0x38;
	[tilespmem:$0x1E400] =	vst v63  }
0x14a: {  	_ =	swait.ge [sflag:s13], $0x2800  }
0x14b: {  	[sflag:s13] =	ssyncset.done $0x0  }
0x14c: {  	s15 =	simm.s32 $0x3;
	[sflag:s13] =	ssyncadd.s32 $0xFFFFD800  }
0x14d: {  	_ =	swait.ge [sflag:s15], $0x50  }
0x14e: {  	s3 =	simm.s32 $0x200;
	[sflag:s15] =	ssyncset.done $0x0  }
0x14f: {  	s10 =	simm.s32 $0x400;
	s23 =	rddreg [dreg:$0x5];
	[sflag:s15] =	ssyncadd.s32 $0xFFFFFFB0  }
0x150: {  	[spmem:s2] =	stream.indirect.scatter.add.f32 [tilespmem:s10], [sflag:$0x7], $0x80, s3, s26, $0xb8;
	[tilespmem:$0x1E400] =	vst v63  }
0x151: {  	s31 =	simm.s32 $0x180;
	s28 =	simm.s32 @!p1 $0x9;
	s15 =	sadd.s32 s22, s23  }
0x152: {  	[tilespmem:s31], [sflag:$0xE] =	stream.linear.gather [hbm4b:s15+s4], $0x50, $0x38;
	[tilespmem:$0x1E400] =	vst v63  }
0x153: {  	_ =	swait.ge @!p1 [sflag:s28], $0x2800  }
0x154: {  	[sflag:s28] =	ssyncset.done @!p1 $0x0  }
0x155: {  	[sflag:s28] =	ssyncadd.s32 @!p1 $0xFFFFD800  }
0x156: {  	_ =	swait.ge [sflag:s19], $0x50  }
0x157: {  	[sflag:s19] =	ssyncset.done $0x0  }
0x158: {  	s15 =	simm.s32 $0x5400;
	s23 =	rddreg [dreg:$0x4];
	[sflag:s19] =	ssyncadd.s32 $0xFFFFFFB0  }
0x159: {  	[tilespmem:s15], [sflag:$0x1] =	stream.indirect.gather [hbm4b:s30+s26], $0x80, s25, s26, $0xb8;
	[tilespmem:$0x1E400] =	vst v63  }
0x15a: {  	s0 =	simm.s32 $0x300;
	s25 =	sadd.s32 s22, s23  }
0x15b: {  	[tilespmem:s0], [sflag:$0x5] =	stream.linear.gather [hbm4b:s25+s4], $0x50, $0x38;
	[tilespmem:$0x1E400] =	vst v63  }
0x15c: {  	_ =	swait.ge [sflag:s9], $0x2800  }
0x15d: {  	[sflag:s9] =	ssyncset.done $0x0  }
0x15e: {  	[sflag:s9] =	ssyncadd.s32 $0xFFFFD800  }
0x15f: {  	_ =	swait.ge [sflag:s20], $0x50  }
0x160: {  	[sflag:s20] =	ssyncset.done $0x0  }
0x161: {  	s25 =	sshrl.u32 s18, $0x3;
	[sflag:s20] =	ssyncadd.s32 $0xFFFFFFB0  }
0x162: {  	[spmem:s2] =	stream.indirect.scatter.add.f32 [tilespmem:s7], [sflag:$0x8], $0x80, s12, s26, $0xb8;
	[tilespmem:$0x1E400] =	vst v63  }
0x163: {  	s28 =	simm.s32 @!p1 $0xA;
	s23 =	sadd.s32 s6, s25  }
0x164: {  	[tilespmem:s4], [sflag:$0xB] =	stream.linear.gather [hbm4b:s23+s4], $0x50, $0x38;
	[tilespmem:$0x1E400] =	vst v63  }
0x165: {  	_ =	swait.ge @!p1 [sflag:s28], $0x2800  }
0x166: {  	[sflag:s28] =	ssyncset.done @!p1 $0x0  }
0x167: {  	[sflag:s28] =	ssyncadd.s32 @!p1 $0xFFFFD800  }
0x168: {  	_ =	swait.ge [sflag:s29], $0x50  }
0x169: {  	[sflag:s29] =	ssyncset.done $0x0  }
0x16a: {  	s7 =	rddreg [dreg:$0x6];
	[sflag:s29] =	ssyncadd.s32 $0xFFFFFFB0  }
0x16b: {  	[tilespmem:s24], [sflag:$0x2] =	stream.indirect.gather [hbm4b:s30+s26], $0x80, s31, s26, $0xb8;
	[tilespmem:$0x1E400] =	vst v63  }
0x16c: {  	s23 =	sadd.s32 s22, s7  }
0x16d: {  	[tilespmem:s8], [sflag:$0x6] =	stream.linear.gather [hbm4b:s23+s4], $0x50, $0x38;
	[tilespmem:$0x1E400] =	vst v63  }
0x16e: {  	_ =	swait.ge [sflag:s13], $0x2800  }
0x16f: {  	[sflag:s13] =	ssyncset.done $0x0  }
0x170: {  	[sflag:s13] =	ssyncadd.s32 $0xFFFFD800  }
0x171: {  	_ =	swait.ge [sflag:s1], $0x50  }
0x172: {  	[sflag:s1] =	ssyncset.done $0x0  }
0x173: {  	[sflag:s1] =	ssyncadd.s32 $0xFFFFFFB0  }
0x174: {  	[spmem:s2] =	stream.indirect.scatter.add.f32 [tilespmem:s15], [sflag:$0x9], $0x80, s0, s26, $0xb8;
	[tilespmem:$0x1E400] =	vst v63  }
0x175: {  	p1 =	seq.s32 s22, $0x4B0;
	s0 =	rddreg [dreg:$0x8]  }
0x176: {  	s28 =	simm.s32 @!p1 $0x80;
	s23 =	simm.s32 @!p1 $0x0;
	s22 =	sadd.s32 @!p1 s22, s0  }
0x177: {  	[tilespmem:s28], [sflag:$0xC] =	stream.linear.gather @!p1 [hbm4b:s22+s23], $0x50, $0x38;
	[tilespmem:$0x1E400] =	vst v63  }
0x178: {  	s22 =	simm.s32 $0x7  }
0x179: {  	_ =	swait.ge [sflag:s22], $0x2800  }
0x17a: {  	[sflag:s22] =	ssyncset.done $0x0  }
0x17b: {  	s15 =	simm.s32 $0xB;
	[sflag:s22] =	ssyncadd.s32 $0xFFFFD800  }
0x17c: {  	_ =	swait.ge [sflag:s15], $0x50  }
0x17d: {  	[sflag:s15] =	ssyncset.done $0x0  }
0x17e: {  	s23 =	sshrl.u32 s21, $0x3;
	[sflag:s15] =	ssyncadd.s32 $0xFFFFFFB0  }
0x17f: {  	[tilespmem:s10], [sflag:$0x1] =	stream.indirect.gather [hbm4b:s30+s26], $0x80, s4, s26, $0xb8;
	[tilespmem:$0x1E400] =	vst v63  }
0x180: {  	s17 =	sadd.s32 $0x28, s17;
	s22 =	sadd.s32 s6, s23  }
0x181: {  	[tilespmem:s3], [sflag:$0x3] =	stream.linear.gather [hbm4b:s22+s4], $0x50, $0x38;
	[tilespmem:$0x1E400] =	vst v63  }
0x182: {  	p0 =	sne.s32 s17, $0x4D8;
	_ =	swait.ge [sflag:s9], $0x2800  }
.Ltmp1:
0x183: {  	[sflag:s9] =	ssyncset.done $0x0;
	(pc) =	sbr.rel @p0 .LBB2_4-.Ltmp1, $4  }
0x184: {  	s18 =	sadd.s32 $0x140, s18;
	[sflag:s9] =	ssyncadd.s32 $0xFFFFD800  }
0x185: {  	s25 =	simm.s32 $0x7C00;
	s31 =	simm.s32 $0x380;
	_ =	swait.ge [sflag:s16], $0x50  }
0x186: {  	s24 =	simm.s32 $0x400;
	s28 =	smov.u32 s30;
	[sflag:s16] =	ssyncset.done $0x0  }
0x187: {  	s21 =	sadd.s32 $0x140, s21;
	s10 =	simm.s32 $0x200;
	[sflag:s16] =	ssyncadd.s32 $0xFFFFFFB0  }
0x188: {  	[spmem:s2] =	stream.indirect.scatter.add.f32 [tilespmem:s25], [sflag:$0xA], $0x80, s31, s26, $0xb8;
	[tilespmem:$0x1E400] =	vst v63  }
0x189: {  	_ =	swait.ge [sflag:s13], $0x2800  }
0x18a: {  	[sflag:s13] =	ssyncset.done $0x0  }
0x18b: {  	s14 =	simm.s32 $0x3;
	[sflag:s13] =	ssyncadd.s32 $0xFFFFD800  }
0x18c: {  	_ =	swait.ge [sflag:s14], $0x50  }
0x18d: {  	[sflag:s14] =	ssyncset.done $0x0  }
0x18e: {  	s3 =	simm.s32 $0x8;
	[sflag:s14] =	ssyncadd.s32 $0xFFFFFFB0  }
0x18f: {  	[spmem:s2] =	stream.indirect.scatter.add.f32 [tilespmem:s24], [sflag:$0x7], $0x80, s10, s26, $0xb8;
	[tilespmem:$0x1E400] =	vst v63  }
0x190: {  	_ =	swait.ge [sflag:s3], $0x2800  }
0x191: {  	[sflag:s3] =	ssyncset.done $0x0  }
0x192: {  	s20 =	simm.s32 $0x9;
	[sflag:s3] =	ssyncadd.s32 $0xFFFFD800  }
0x193: {  	_ =	swait.ge [sflag:s20], $0x2800  }
0x194: {  	[sflag:s20] =	ssyncset.done $0x0  }
0x195: {  	s21 =	simm.s32 $0xA;
	[sflag:s20] =	ssyncadd.s32 $0xFFFFD800  }
0x196: {  	_ =	swait.ge [sflag:s21], $0x2800  }
0x197: {  	[sflag:s21] =	ssyncset.done $0x0  }
0x198: {  	s0 =	simm.s32 $0x7;
	[sflag:s21] =	ssyncadd.s32 $0xFFFFD800  }
0x199: {  	_ =	swait.ge [sflag:s0], $0x2800  }
0x19a: {  	[sflag:s0] =	ssyncset.done $0x0  }
0x19b: {  	[sflag:s0] =	ssyncadd.s32 $0xFFFFD800  }
0x19c: {  	[bflag:$0x0] =	sbarrier.arrive $0xFFFF  }
0x19d: {  	s18 =	rddreg [dreg:$0xc]  }
0x19e: {  	s17 =	rddreg [dreg:$0x10]  }
0x19f: {  	s23 =	smov.u32 s11;
	s11 =	simm.s32 $0xF;
	s22 =	rddreg [dreg:$0x15]  }
0x1a0: {  	[hbm:s17], [sflag:s18] =	dma.local [spmem:s22], $0x2800  }
0x1a1: {  	_ =	swait.ge [sflag:s11], $0x2800  }
0x1a2: {  	s24 =	rddreg [dreg:$0x14]  }
0x1a3: {  	s30 =	rddreg [dreg:$0x11];
	s3 =	sadd.s32 $0x1, s24  }
0x1a4: {  	p0 =	sne.s32 s3, s30  }
.Ltmp2:
0x1a5: {  	s10 =	rddreg [dreg:$0x5];
	(pc) =	sbr.rel @p0 .LBB2_1-.Ltmp2, $4  }
0x1a6: {  	s7 =	simm.s32 $0xD;
	s19 =	simm.s32 $0x4;
	s21 =	rddreg [dreg:$0x6]  }
0x1a7: {  	s20 =	simm.s32 $0xE;
	s0 =	simm.s32 $0xC;
	s29 =	rddreg [dreg:$0x7]  }
0x1a8: {  	s22 =	simm.s32 $0x2C00;
	[sflag:s11] =	ssyncset.done $0x0;
	s8 =	rddreg [dreg:$0x8]  }
0x1a9: {  	s12 =	rddreg [dreg:$0x4];
	[sflag:s11] =	ssyncadd.s32 $0xFFFFD800;
	s24 =	simm.s32 $0x280  }
0x1aa: {  	_ =	sfence.sel $0x180000  }
0x1ab: {  	[bflag:$0x0] =	sbarrier.arrive $0xFFFF  }
0x1ac: {  	_ =	strace $0x90000047  }
0x1ad: {  	s0 =	stileid.u32;
	[bflag:$0x2] =	sbarrier.arrive $0xFFFF  }
0x1ae: {  	p0 =	sne.s32 s0, $0x0;
	s0 =	rddreg [dreg:$0x3]  }
0x1af: {  	s0 =	sadd.s32 @!p0 $0x100000, s0  }
0x1b0: {  	[sflag:s0] =	ssyncadd.tile.s32 @!p0 $0x1;
	_ =	shalt  }
.Lfunc_end2:
_tile_overlayer_lowered:
.L_overlay_start_2:
0x1b1: {  	(tag) =	ssettag $0x2  }
0x1b2: {  	s0 =	rddreg [dreg:$0x0];
	s2 =	stileid.u32  }
0x1b3: {  	s1 =	rddreg [dreg:$0x1];
	p0 =	sne.s32 s2, $0x0  }
0x1b4: {  	s3 =	rddreg [dreg:$0x2];
	[bflag:$0x3] =	sbarrier.arrive $0xFFFF;
	s2 =	simm.s32 @!p0 $0x1C0F  }
0x1b5: {  	[timem:s3], [sflag:s2] =	dma.local @!p0 [hbm:s0], s1  }
0x1b6: {  	s0 =	simm.s32 @!p0 $0xF  }
0x1b7: {  	_ =	swait.ge @!p0 [sflag:s0], s1  }
0x1b8: {  	s1 =	ssub.s32 @!p0 $0x0, s1;
	[sflag:s0] =	ssyncset.done @!p0 $0x0  }
0x1b9: {  	[sflag:s0] =	ssyncadd.s32 @!p0 s1  }
0x1ba: {  	[bflag:$0x3] =	sbarrier.arrive $0xFFFF  }
0x1bb: {  	_ =	shalt  }

</sc_bundles>
